<compile_context>
chip_gen: v7x
topology: tpu7x:2x2x1
jax: 0.10.2.dev20260603
libtpu: 0.0.44.dev20260713+nightly
codegen_flags: <defaults>
</compile_context>

<pallas_src>
import functools

import jax
import jax.numpy as jnp
from jax import lax
from jax.experimental import pallas as pl
from jax.experimental.pallas import tpu as pltpu
from jax.experimental.pallas import tpu_sc as plsc

D = 1024
V = 256
NC, NS = 2, 16
NW = NC * NS
CHUNK = 16
NBUF = 4
N_SC = 4096
BM = 2048


def _table_body(base_ref, proj_ref, w_ref, whi_ref, wlo_ref):
    r = lax.broadcasted_iota(jnp.int32, (V, 8), 0)
    j = lax.broadcasted_iota(jnp.int32, (V, 8), 1)
    bits = ((r >> (7 - j)) & 1).astype(jnp.float32)
    w = base_ref[...] + lax.dot_general(
        bits, proj_ref[...], (((1,), (1,)), ((), ())),
        preferred_element_type=jnp.float32)
    w_ref[...] = w
    hi = w.astype(jnp.bfloat16)
    whi_ref[...] = hi
    wlo_ref[...] = (w - hi.astype(jnp.float32)).astype(jnp.bfloat16)


def _build_table(base_weight, bit_proj_w):
    return pl.pallas_call(
        _table_body,
        out_shape=(
            jax.ShapeDtypeStruct((V, D), jnp.float32),
            jax.ShapeDtypeStruct((V, D), jnp.bfloat16),
            jax.ShapeDtypeStruct((V, D), jnp.bfloat16),
        ),
    )(base_weight, bit_proj_w)


def _make_sc_gather(total_ids):
    b_per_w = N_SC // NW
    n_chunks = b_per_w // CHUNK
    assert n_chunks % NBUF == 0 and n_chunks >= 2 * NBUF
    mesh = plsc.VectorSubcoreMesh(
        core_axis_name="c", subcore_axis_name="s",
        num_cores=NC, num_subcores=NS)

    @functools.partial(
        pl.kernel,
        mesh=mesh,
        out_type=jax.ShapeDtypeStruct((total_ids, D), jnp.float32),
        scratch_types=[
            pltpu.VMEM((b_per_w,), jnp.int32),
            pltpu.VMEM((CHUNK, D), jnp.float32),
            pltpu.VMEM((CHUNK, D), jnp.float32),
            pltpu.VMEM((CHUNK, D), jnp.float32),
            pltpu.VMEM((CHUNK, D), jnp.float32),
            pltpu.SemaphoreType.DMA,
            pltpu.SemaphoreType.DMA,
        ],
    )
    def gather_k(table_hbm, ids_hbm, out_hbm, idx_v, b0, b1, b2, b3,
                 gsem, ssem):
        bufs = (b0, b1, b2, b3)
        wid = lax.axis_index("s") * NC + lax.axis_index("c")
        base = wid * b_per_w
        pltpu.sync_copy(ids_hbm.at[pl.ds(base, b_per_w)], idx_v)

        def start_g(c, buf):
            pltpu.async_copy(
                table_hbm.at[idx_v.at[pl.ds(c * CHUNK, CHUNK)]], buf, gsem)

        def start_s(c, buf):
            pltpu.async_copy(
                buf, out_hbm.at[pl.ds(base + c * CHUNK, CHUNK)], ssem)

        def wait_g():
            pltpu.make_async_copy(
                table_hbm.at[pl.ds(0, CHUNK)], b0, gsem).wait()

        def wait_s():
            pltpu.make_async_copy(
                b0, out_hbm.at[pl.ds(base, CHUNK)], ssem).wait()

        start_g(0, b0)
        start_g(1, b1)
        wait_g()
        start_s(0, b0)
        start_g(2, b2)
        wait_g()
        start_s(1, b1)
        start_g(3, b3)

        def body(j, carry):
            for b in range(NBUF):
                c = 2 + NBUF * j + b
                wait_g()
                start_s(c, bufs[(b + 2) % NBUF])
                wait_s()
                start_g(c + 2, bufs[b])
            return carry

        lax.fori_loop(0, (n_chunks - 4) // NBUF, body, 0, unroll=False)

        wait_g()
        start_s(n_chunks - 2, bufs[(n_chunks - 2) % NBUF])
        wait_s()
        wait_g()
        start_s(n_chunks - 1, bufs[(n_chunks - 1) % NBUF])
        wait_s()
        wait_s()
        wait_s()

    return gather_k


def _onehot_body(ids_ref, whi_ref, wlo_ref, alias_ref, out_ref):
    del alias_ref
    idv = ids_ref[0, 0, :]
    col = lax.broadcasted_iota(jnp.int32, (BM, V), 1)
    oh = (idv[:, None] == col).astype(jnp.bfloat16)
    acc = jnp.dot(oh, whi_ref[...], preferred_element_type=jnp.float32)
    acc = acc + jnp.dot(oh, wlo_ref[...], preferred_element_type=jnp.float32)
    out_ref[...] = acc


def _tc_fill(ids_tc, whi, wlo, partial_out):
    total, _ = partial_out.shape
    n_tc = ids_tc.shape[0]
    assert n_tc % BM == 0 and N_SC % BM == 0
    grid = n_tc // BM
    ids3 = ids_tc.reshape(grid, 1, BM)
    return pl.pallas_call(
        _onehot_body,
        grid=(grid,),
        in_specs=[
            pl.BlockSpec((1, 1, BM), lambda i: (i, 0, 0)),
            pl.BlockSpec((V, D), lambda i: (0, 0)),
            pl.BlockSpec((V, D), lambda i: (0, 0)),
            pl.BlockSpec(memory_space=pl.ANY),
        ],
        out_specs=pl.BlockSpec((BM, D), lambda i: (i + N_SC // BM, 0)),
        out_shape=jax.ShapeDtypeStruct((total, D), jnp.float32),
        input_output_aliases={3: 0},
    )(ids3, whi, wlo, partial_out)


def kernel(input_ids, base_weight, bit_proj_w):
    bsz, seq = input_ids.shape
    total = bsz * seq
    w, whi, wlo = _build_table(base_weight, bit_proj_w)
    ids = input_ids.reshape(-1).astype(jnp.int32)
    sc_out = _make_sc_gather(total)(w, ids)
    out = _tc_fill(ids[N_SC:], whi, wlo, sc_out)
    return out.reshape(bsz, seq, D)

# --- scband reference (transcript-rebuilt; emitter-appended) ---
"""Pipeline reference for scband-patched-bit-embeddings-90735479095368 (READ-ONLY COPY).

The authoritative reference and input builder live on the scoring server;
editing this copy changes nothing except your own understanding.
"""

import jax, jax.numpy as jnp
import numpy as np

D = 1024

def _bits256(dtype=jnp.float32):
    shifts = jnp.arange(7, -1, -1, dtype=jnp.int32)
    bytes_ = jnp.arange(256, dtype=jnp.int32)
    bits = (bytes_[:, None] >> shifts) & 1
    return bits.astype(dtype)  # (256, 8)

def setup_inputs(seed: int = 0) -> dict:
    key = jax.random.key(seed)
    k1, k2, k3 = jax.random.split(key, 3)
    input_ids = jax.random.randint(k1, (4, 8192), 0, 256, dtype=jnp.int64)
    base_weight = jax.random.normal(k2, (256, D), dtype=jnp.float32) * 0.02
    bit_proj_w = jax.random.normal(k3, (D, 8), dtype=jnp.float32) * 0.02
    return {"input_ids": input_ids, "base_weight": base_weight, "bit_proj_w": bit_proj_w}

def reference(input_ids, base_weight, bit_proj_w):
    # facade weight W = base + bits(256,8) @ bit_proj_w.T(8,D)
    bits = _bits256(base_weight.dtype)
    W = base_weight + bits @ bit_proj_w.T  # (256, D)
    # embedding lookup
    return jnp.take(W, input_ids, axis=0)  # (B, S, D)

if __name__ == "__main__":
    import jax
    _d = setup_inputs()
    print(jax.jit(kernel)(*tuple(_d.values())))

</pallas_src>

<mosaic_0001>
#map = affine_map<(d0, d1) -> (0, 0)>
#map1 = affine_map<(d0, d1) -> (0)>
module attributes {stable_mosaic.version = 14 : i64} {
  func.func @gather_k(%arg0: i32, %arg1: i32, %arg2: memref<256x1024xf32, #tpu.memory_space<hbm>>, %arg3: memref<32768xi32, #tpu.memory_space<hbm>>, %arg4: memref<32768x1024xf32, #tpu.memory_space<hbm>>, %arg5: memref<128xi32, #tpu.memory_space<vmem>>, %arg6: memref<16x1024xf32, #tpu.memory_space<vmem>>, %arg7: memref<16x1024xf32, #tpu.memory_space<vmem>>, %arg8: memref<16x1024xf32, #tpu.memory_space<vmem>>, %arg9: memref<16x1024xf32, #tpu.memory_space<vmem>>, %arg10: memref<!tpu.dma_semaphore, #tpu.memory_space<semaphore_mem>>, %arg11: memref<!tpu.dma_semaphore, #tpu.memory_space<semaphore_mem>>) attributes {dimension_semantics = [#tpu.dimension_semantics<core_parallel>, #tpu.dimension_semantics<subcore_parallel>], iteration_bounds = array<i64: 2, 16>, scalar_prefetch = 0 : i64, scratch_operands = 7 : i64, tpu.core_type = #tpu.core_type<sc_vector_subcore>, window_params = [{transform_indices = #map}, {transform_indices = #map1}, {transform_indices = #map}]} {
    %mul3A = arith.constant 2 : i32
    %mul3A_0 = arith.muli %arg1, %mul3A : i32
    %add3A = arith.addi %mul3A_0, %arg0 : i32
    %mul3A_1 = arith.constant 128 : i32
    %mul3A_2 = arith.muli %add3A, %mul3A_1 : i32
    "tpu.region"() ({
      %run_scoped3A = tpu.sem_alloc : memref<!tpu.dma_semaphore, #tpu.memory_space<semaphore_mem>>
      %dma_start3A_211 = tpu.memref_slice %arg3[%mul3A_2] : memref<32768xi32, #tpu.memory_space<hbm>> -> memref<128xi32, #tpu.memory_space<hbm>>
      %dma_start3A_212 = tpu.memref_slice %arg3[%mul3A_2] : memref<32768xi32, #tpu.memory_space<hbm>> -> memref<128xi32, #tpu.memory_space<hbm>>
      tpu.enqueue_dma source(%dma_start3A_212 : memref<128xi32, #tpu.memory_space<hbm>>) target(%arg5 : memref<128xi32, #tpu.memory_space<vmem>>) target_semaphore(%run_scoped3A : memref<!tpu.dma_semaphore, #tpu.memory_space<semaphore_mem>>)
      %dma_wait3A_213 = tpu.memref_slice %arg3[%mul3A_2] : memref<32768xi32, #tpu.memory_space<hbm>> -> memref<128xi32, #tpu.memory_space<hbm>>
      %dma_wait3A_214 = tpu.memref_slice %arg3[%mul3A_2] : memref<32768xi32, #tpu.memory_space<hbm>> -> memref<128xi32, #tpu.memory_space<hbm>>
      tpu.wait_dma2 semaphore(%run_scoped3A : memref<!tpu.dma_semaphore, #tpu.memory_space<semaphore_mem>>) src(%dma_wait3A_214 : memref<128xi32, #tpu.memory_space<hbm>>) dst(%arg5 : memref<128xi32, #tpu.memory_space<vmem>>)
      tpu.yield
    }) : () -> ()
    %dma_start3A = arith.constant 0 : i32
    %dma_start3A_3 = tpu.memref_slice %arg5[%dma_start3A] : memref<128xi32, #tpu.memory_space<vmem>> -> memref<16xi32, #tpu.memory_space<vmem>>
    %dma_start3A_4 = arith.constant 0 : i32
    %dma_start3A_5 = arith.constant 0 : i32
    %dma_start3A_6 = tpu.memref_slice %arg2[%dma_start3A_4, %dma_start3A_5] : memref<256x1024xf32, #tpu.memory_space<hbm>> -> memref<256x1024xf32, #tpu.memory_space<hbm>>
    tpu.enqueue_indirect_dma source(%dma_start3A_6 : memref<256x1024xf32, #tpu.memory_space<hbm>>) target(%arg6 : memref<16x1024xf32, #tpu.memory_space<vmem>>) offsets(%dma_start3A_3 : memref<16xi32, #tpu.memory_space<vmem>>) semaphore(%arg10 : memref<!tpu.dma_semaphore, #tpu.memory_space<semaphore_mem>>)
    %dma_start3A_7 = arith.constant 16 : i32
    %dma_start3A_8 = tpu.memref_slice %arg5[%dma_start3A_7] : memref<128xi32, #tpu.memory_space<vmem>> -> memref<16xi32, #tpu.memory_space<vmem>>
    %dma_start3A_9 = arith.constant 0 : i32
    %dma_start3A_10 = arith.constant 0 : i32
    %dma_start3A_11 = tpu.memref_slice %arg2[%dma_start3A_9, %dma_start3A_10] : memref<256x1024xf32, #tpu.memory_space<hbm>> -> memref<256x1024xf32, #tpu.memory_space<hbm>>
    tpu.enqueue_indirect_dma source(%dma_start3A_11 : memref<256x1024xf32, #tpu.memory_space<hbm>>) target(%arg7 : memref<16x1024xf32, #tpu.memory_space<vmem>>) offsets(%dma_start3A_8 : memref<16xi32, #tpu.memory_space<vmem>>) semaphore(%arg10 : memref<!tpu.dma_semaphore, #tpu.memory_space<semaphore_mem>>)
    %dma_wait3A = arith.constant 0 : i32
    %dma_wait3A_12 = arith.constant 0 : i32
    %dma_wait3A_13 = tpu.memref_slice %arg2[%dma_wait3A, %dma_wait3A_12] : memref<256x1024xf32, #tpu.memory_space<hbm>> -> memref<16x1024xf32, #tpu.memory_space<hbm>>
    %dma_wait3A_14 = arith.constant 0 : i32
    %dma_wait3A_15 = arith.constant 0 : i32
    %dma_wait3A_16 = tpu.memref_slice %arg2[%dma_wait3A_14, %dma_wait3A_15] : memref<256x1024xf32, #tpu.memory_space<hbm>> -> memref<16x1024xf32, #tpu.memory_space<hbm>>
    tpu.wait_dma2 semaphore(%arg10 : memref<!tpu.dma_semaphore, #tpu.memory_space<semaphore_mem>>) src(%dma_wait3A_16 : memref<16x1024xf32, #tpu.memory_space<hbm>>) dst(%arg6 : memref<16x1024xf32, #tpu.memory_space<vmem>>)
    %add3A_17 = arith.constant 0 : i32
    %add3A_18 = arith.addi %mul3A_2, %add3A_17 : i32
    %dma_start3A_19 = arith.constant 0 : i32
    %dma_start3A_20 = tpu.memref_slice %arg4[%add3A_18, %dma_start3A_19] : memref<32768x1024xf32, #tpu.memory_space<hbm>> -> memref<16x1024xf32, #tpu.memory_space<hbm>>
    %dma_start3A_21 = arith.constant 0 : i32
    %dma_start3A_22 = tpu.memref_slice %arg4[%add3A_18, %dma_start3A_21] : memref<32768x1024xf32, #tpu.memory_space<hbm>> -> memref<16x1024xf32, #tpu.memory_space<hbm>>
    tpu.enqueue_dma source(%arg6 : memref<16x1024xf32, #tpu.memory_space<vmem>>) target(%dma_start3A_22 : memref<16x1024xf32, #tpu.memory_space<hbm>>) target_semaphore(%arg11 : memref<!tpu.dma_semaphore, #tpu.memory_space<semaphore_mem>>)
    %dma_start3A_23 = arith.constant 32 : i32
    %dma_start3A_24 = tpu.memref_slice %arg5[%dma_start3A_23] : memref<128xi32, #tpu.memory_space<vmem>> -> memref<16xi32, #tpu.memory_space<vmem>>
    %dma_start3A_25 = arith.constant 0 : i32
    %dma_start3A_26 = arith.constant 0 : i32
    %dma_start3A_27 = tpu.memref_slice %arg2[%dma_start3A_25, %dma_start3A_26] : memref<256x1024xf32, #tpu.memory_space<hbm>> -> memref<256x1024xf32, #tpu.memory_space<hbm>>
    tpu.enqueue_indirect_dma source(%dma_start3A_27 : memref<256x1024xf32, #tpu.memory_space<hbm>>) target(%arg8 : memref<16x1024xf32, #tpu.memory_space<vmem>>) offsets(%dma_start3A_24 : memref<16xi32, #tpu.memory_space<vmem>>) semaphore(%arg10 : memref<!tpu.dma_semaphore, #tpu.memory_space<semaphore_mem>>)
    %dma_wait3A_28 = arith.constant 0 : i32
    %dma_wait3A_29 = arith.constant 0 : i32
    %dma_wait3A_30 = tpu.memref_slice %arg2[%dma_wait3A_28, %dma_wait3A_29] : memref<256x1024xf32, #tpu.memory_space<hbm>> -> memref<16x1024xf32, #tpu.memory_space<hbm>>
    %dma_wait3A_31 = arith.constant 0 : i32
    %dma_wait3A_32 = arith.constant 0 : i32
    %dma_wait3A_33 = tpu.memref_slice %arg2[%dma_wait3A_31, %dma_wait3A_32] : memref<256x1024xf32, #tpu.memory_space<hbm>> -> memref<16x1024xf32, #tpu.memory_space<hbm>>
    tpu.wait_dma2 semaphore(%arg10 : memref<!tpu.dma_semaphore, #tpu.memory_space<semaphore_mem>>) src(%dma_wait3A_33 : memref<16x1024xf32, #tpu.memory_space<hbm>>) dst(%arg6 : memref<16x1024xf32, #tpu.memory_space<vmem>>)
    %add3A_34 = arith.constant 16 : i32
    %add3A_35 = arith.addi %mul3A_2, %add3A_34 : i32
    %dma_start3A_36 = arith.constant 0 : i32
    %dma_start3A_37 = tpu.memref_slice %arg4[%add3A_35, %dma_start3A_36] : memref<32768x1024xf32, #tpu.memory_space<hbm>> -> memref<16x1024xf32, #tpu.memory_space<hbm>>
    %dma_start3A_38 = arith.constant 0 : i32
    %dma_start3A_39 = tpu.memref_slice %arg4[%add3A_35, %dma_start3A_38] : memref<32768x1024xf32, #tpu.memory_space<hbm>> -> memref<16x1024xf32, #tpu.memory_space<hbm>>
    tpu.enqueue_dma source(%arg7 : memref<16x1024xf32, #tpu.memory_space<vmem>>) target(%dma_start3A_39 : memref<16x1024xf32, #tpu.memory_space<hbm>>) target_semaphore(%arg11 : memref<!tpu.dma_semaphore, #tpu.memory_space<semaphore_mem>>)
    %dma_start3A_40 = arith.constant 48 : i32
    %dma_start3A_41 = tpu.memref_slice %arg5[%dma_start3A_40] : memref<128xi32, #tpu.memory_space<vmem>> -> memref<16xi32, #tpu.memory_space<vmem>>
    %dma_start3A_42 = arith.constant 0 : i32
    %dma_start3A_43 = arith.constant 0 : i32
    %dma_start3A_44 = tpu.memref_slice %arg2[%dma_start3A_42, %dma_start3A_43] : memref<256x1024xf32, #tpu.memory_space<hbm>> -> memref<256x1024xf32, #tpu.memory_space<hbm>>
    tpu.enqueue_indirect_dma source(%dma_start3A_44 : memref<256x1024xf32, #tpu.memory_space<hbm>>) target(%arg9 : memref<16x1024xf32, #tpu.memory_space<vmem>>) offsets(%dma_start3A_41 : memref<16xi32, #tpu.memory_space<vmem>>) semaphore(%arg10 : memref<!tpu.dma_semaphore, #tpu.memory_space<semaphore_mem>>)
    %scan3A = arith.constant 0 : i32
    %scan3A_45 = arith.constant 0 : i32
    %mul3A_46 = arith.constant 4 : i32
    %mul3A_47 = arith.muli %mul3A_46, %scan3A_45 : i32
    %add3A_48 = arith.constant 2 : i32
    %add3A_49 = arith.addi %add3A_48, %mul3A_47 : i32
    %add3A_50 = arith.constant 0 : i32
    %add3A_51 = arith.addi %add3A_49, %add3A_50 : i32
    %dma_wait3A_52 = arith.constant 0 : i32
    %dma_wait3A_53 = arith.constant 0 : i32
    %dma_wait3A_54 = tpu.memref_slice %arg2[%dma_wait3A_52, %dma_wait3A_53] : memref<256x1024xf32, #tpu.memory_space<hbm>> -> memref<16x1024xf32, #tpu.memory_space<hbm>>
    %dma_wait3A_55 = arith.constant 0 : i32
    %dma_wait3A_56 = arith.constant 0 : i32
    %dma_wait3A_57 = tpu.memref_slice %arg2[%dma_wait3A_55, %dma_wait3A_56] : memref<256x1024xf32, #tpu.memory_space<hbm>> -> memref<16x1024xf32, #tpu.memory_space<hbm>>
    tpu.wait_dma2 semaphore(%arg10 : memref<!tpu.dma_semaphore, #tpu.memory_space<semaphore_mem>>) src(%dma_wait3A_57 : memref<16x1024xf32, #tpu.memory_space<hbm>>) dst(%arg6 : memref<16x1024xf32, #tpu.memory_space<vmem>>)
    %mul3A_58 = arith.constant 16 : i32
    %mul3A_59 = arith.muli %add3A_51, %mul3A_58 : i32
    %add3A_60 = arith.addi %mul3A_2, %mul3A_59 : i32
    %dma_start3A_61 = arith.constant 0 : i32
    %dma_start3A_62 = tpu.memref_slice %arg4[%add3A_60, %dma_start3A_61] : memref<32768x1024xf32, #tpu.memory_space<hbm>> -> memref<16x1024xf32, #tpu.memory_space<hbm>>
    %dma_start3A_63 = arith.constant 0 : i32
    %dma_start3A_64 = tpu.memref_slice %arg4[%add3A_60, %dma_start3A_63] : memref<32768x1024xf32, #tpu.memory_space<hbm>> -> memref<16x1024xf32, #tpu.memory_space<hbm>>
    tpu.enqueue_dma source(%arg8 : memref<16x1024xf32, #tpu.memory_space<vmem>>) target(%dma_start3A_64 : memref<16x1024xf32, #tpu.memory_space<hbm>>) target_semaphore(%arg11 : memref<!tpu.dma_semaphore, #tpu.memory_space<semaphore_mem>>)
    %dma_wait3A_65 = arith.constant 0 : i32
    %dma_wait3A_66 = tpu.memref_slice %arg4[%mul3A_2, %dma_wait3A_65] : memref<32768x1024xf32, #tpu.memory_space<hbm>> -> memref<16x1024xf32, #tpu.memory_space<hbm>>
    %dma_wait3A_67 = arith.constant 0 : i32
    %dma_wait3A_68 = tpu.memref_slice %arg4[%mul3A_2, %dma_wait3A_67] : memref<32768x1024xf32, #tpu.memory_space<hbm>> -> memref<16x1024xf32, #tpu.memory_space<hbm>>
    tpu.wait_dma2 semaphore(%arg11 : memref<!tpu.dma_semaphore, #tpu.memory_space<semaphore_mem>>) src(%arg6 : memref<16x1024xf32, #tpu.memory_space<vmem>>) dst(%dma_wait3A_68 : memref<16x1024xf32, #tpu.memory_space<hbm>>)
    %add3A_69 = arith.constant 2 : i32
    %add3A_70 = arith.addi %add3A_51, %add3A_69 : i32
    %mul3A_71 = arith.constant 16 : i32
    %mul3A_72 = arith.muli %add3A_70, %mul3A_71 : i32
    %dma_start3A_73 = tpu.memref_slice %arg5[%mul3A_72] : memref<128xi32, #tpu.memory_space<vmem>> -> memref<16xi32, #tpu.memory_space<vmem>>
    %dma_start3A_74 = arith.constant 0 : i32
    %dma_start3A_75 = arith.constant 0 : i32
    %dma_start3A_76 = tpu.memref_slice %arg2[%dma_start3A_74, %dma_start3A_75] : memref<256x1024xf32, #tpu.memory_space<hbm>> -> memref<256x1024xf32, #tpu.memory_space<hbm>>
    tpu.enqueue_indirect_dma source(%dma_start3A_76 : memref<256x1024xf32, #tpu.memory_space<hbm>>) target(%arg6 : memref<16x1024xf32, #tpu.memory_space<vmem>>) offsets(%dma_start3A_73 : memref<16xi32, #tpu.memory_space<vmem>>) semaphore(%arg10 : memref<!tpu.dma_semaphore, #tpu.memory_space<semaphore_mem>>)
    %mul3A_77 = arith.constant 4 : i32
    %mul3A_78 = arith.muli %mul3A_77, %scan3A_45 : i32
    %add3A_79 = arith.constant 2 : i32
    %add3A_80 = arith.addi %add3A_79, %mul3A_78 : i32
    %add3A_81 = arith.constant 1 : i32
    %add3A_82 = arith.addi %add3A_80, %add3A_81 : i32
    %dma_wait3A_83 = arith.constant 0 : i32
    %dma_wait3A_84 = arith.constant 0 : i32
    %dma_wait3A_85 = tpu.memref_slice %arg2[%dma_wait3A_83, %dma_wait3A_84] : memref<256x1024xf32, #tpu.memory_space<hbm>> -> memref<16x1024xf32, #tpu.memory_space<hbm>>
    %dma_wait3A_86 = arith.constant 0 : i32
    %dma_wait3A_87 = arith.constant 0 : i32
    %dma_wait3A_88 = tpu.memref_slice %arg2[%dma_wait3A_86, %dma_wait3A_87] : memref<256x1024xf32, #tpu.memory_space<hbm>> -> memref<16x1024xf32, #tpu.memory_space<hbm>>
    tpu.wait_dma2 semaphore(%arg10 : memref<!tpu.dma_semaphore, #tpu.memory_space<semaphore_mem>>) src(%dma_wait3A_88 : memref<16x1024xf32, #tpu.memory_space<hbm>>) dst(%arg6 : memref<16x1024xf32, #tpu.memory_space<vmem>>)
    %mul3A_89 = arith.constant 16 : i32
    %mul3A_90 = arith.muli %add3A_82, %mul3A_89 : i32
    %add3A_91 = arith.addi %mul3A_2, %mul3A_90 : i32
    %dma_start3A_92 = arith.constant 0 : i32
    %dma_start3A_93 = tpu.memref_slice %arg4[%add3A_91, %dma_start3A_92] : memref<32768x1024xf32, #tpu.memory_space<hbm>> -> memref<16x1024xf32, #tpu.memory_space<hbm>>
    %dma_start3A_94 = arith.constant 0 : i32
    %dma_start3A_95 = tpu.memref_slice %arg4[%add3A_91, %dma_start3A_94] : memref<32768x1024xf32, #tpu.memory_space<hbm>> -> memref<16x1024xf32, #tpu.memory_space<hbm>>
    tpu.enqueue_dma source(%arg9 : memref<16x1024xf32, #tpu.memory_space<vmem>>) target(%dma_start3A_95 : memref<16x1024xf32, #tpu.memory_space<hbm>>) target_semaphore(%arg11 : memref<!tpu.dma_semaphore, #tpu.memory_space<semaphore_mem>>)
    %dma_wait3A_96 = arith.constant 0 : i32
    %dma_wait3A_97 = tpu.memref_slice %arg4[%mul3A_2, %dma_wait3A_96] : memref<32768x1024xf32, #tpu.memory_space<hbm>> -> memref<16x1024xf32, #tpu.memory_space<hbm>>
    %dma_wait3A_98 = arith.constant 0 : i32
    %dma_wait3A_99 = tpu.memref_slice %arg4[%mul3A_2, %dma_wait3A_98] : memref<32768x1024xf32, #tpu.memory_space<hbm>> -> memref<16x1024xf32, #tpu.memory_space<hbm>>
    tpu.wait_dma2 semaphore(%arg11 : memref<!tpu.dma_semaphore, #tpu.memory_space<semaphore_mem>>) src(%arg6 : memref<16x1024xf32, #tpu.memory_space<vmem>>) dst(%dma_wait3A_99 : memref<16x1024xf32, #tpu.memory_space<hbm>>)
    %add3A_100 = arith.constant 2 : i32
    %add3A_101 = arith.addi %add3A_82, %add3A_100 : i32
    %mul3A_102 = arith.constant 16 : i32
    %mul3A_103 = arith.muli %add3A_101, %mul3A_102 : i32
    %dma_start3A_104 = tpu.memref_slice %arg5[%mul3A_103] : memref<128xi32, #tpu.memory_space<vmem>> -> memref<16xi32, #tpu.memory_space<vmem>>
    %dma_start3A_105 = arith.constant 0 : i32
    %dma_start3A_106 = arith.constant 0 : i32
    %dma_start3A_107 = tpu.memref_slice %arg2[%dma_start3A_105, %dma_start3A_106] : memref<256x1024xf32, #tpu.memory_space<hbm>> -> memref<256x1024xf32, #tpu.memory_space<hbm>>
    tpu.enqueue_indirect_dma source(%dma_start3A_107 : memref<256x1024xf32, #tpu.memory_space<hbm>>) target(%arg7 : memref<16x1024xf32, #tpu.memory_space<vmem>>) offsets(%dma_start3A_104 : memref<16xi32, #tpu.memory_space<vmem>>) semaphore(%arg10 : memref<!tpu.dma_semaphore, #tpu.memory_space<semaphore_mem>>)
    %mul3A_108 = arith.constant 4 : i32
    %mul3A_109 = arith.muli %mul3A_108, %scan3A_45 : i32
    %add3A_110 = arith.constant 2 : i32
    %add3A_111 = arith.addi %add3A_110, %mul3A_109 : i32
    %add3A_112 = arith.constant 2 : i32
    %add3A_113 = arith.addi %add3A_111, %add3A_112 : i32
    %dma_wait3A_114 = arith.constant 0 : i32
    %dma_wait3A_115 = arith.constant 0 : i32
    %dma_wait3A_116 = tpu.memref_slice %arg2[%dma_wait3A_114, %dma_wait3A_115] : memref<256x1024xf32, #tpu.memory_space<hbm>> -> memref<16x1024xf32, #tpu.memory_space<hbm>>
    %dma_wait3A_117 = arith.constant 0 : i32
    %dma_wait3A_118 = arith.constant 0 : i32
    %dma_wait3A_119 = tpu.memref_slice %arg2[%dma_wait3A_117, %dma_wait3A_118] : memref<256x1024xf32, #tpu.memory_space<hbm>> -> memref<16x1024xf32, #tpu.memory_space<hbm>>
    tpu.wait_dma2 semaphore(%arg10 : memref<!tpu.dma_semaphore, #tpu.memory_space<semaphore_mem>>) src(%dma_wait3A_119 : memref<16x1024xf32, #tpu.memory_space<hbm>>) dst(%arg6 : memref<16x1024xf32, #tpu.memory_space<vmem>>)
    %mul3A_120 = arith.constant 16 : i32
    %mul3A_121 = arith.muli %add3A_113, %mul3A_120 : i32
    %add3A_122 = arith.addi %mul3A_2, %mul3A_121 : i32
    %dma_start3A_123 = arith.constant 0 : i32
    %dma_start3A_124 = tpu.memref_slice %arg4[%add3A_122, %dma_start3A_123] : memref<32768x1024xf32, #tpu.memory_space<hbm>> -> memref<16x1024xf32, #tpu.memory_space<hbm>>
    %dma_start3A_125 = arith.constant 0 : i32
    %dma_start3A_126 = tpu.memref_slice %arg4[%add3A_122, %dma_start3A_125] : memref<32768x1024xf32, #tpu.memory_space<hbm>> -> memref<16x1024xf32, #tpu.memory_space<hbm>>
    tpu.enqueue_dma source(%arg6 : memref<16x1024xf32, #tpu.memory_space<vmem>>) target(%dma_start3A_126 : memref<16x1024xf32, #tpu.memory_space<hbm>>) target_semaphore(%arg11 : memref<!tpu.dma_semaphore, #tpu.memory_space<semaphore_mem>>)
    %dma_wait3A_127 = arith.constant 0 : i32
    %dma_wait3A_128 = tpu.memref_slice %arg4[%mul3A_2, %dma_wait3A_127] : memref<32768x1024xf32, #tpu.memory_space<hbm>> -> memref<16x1024xf32, #tpu.memory_space<hbm>>
    %dma_wait3A_129 = arith.constant 0 : i32
    %dma_wait3A_130 = tpu.memref_slice %arg4[%mul3A_2, %dma_wait3A_129] : memref<32768x1024xf32, #tpu.memory_space<hbm>> -> memref<16x1024xf32, #tpu.memory_space<hbm>>
    tpu.wait_dma2 semaphore(%arg11 : memref<!tpu.dma_semaphore, #tpu.memory_space<semaphore_mem>>) src(%arg6 : memref<16x1024xf32, #tpu.memory_space<vmem>>) dst(%dma_wait3A_130 : memref<16x1024xf32, #tpu.memory_space<hbm>>)
    %add3A_131 = arith.constant 2 : i32
    %add3A_132 = arith.addi %add3A_113, %add3A_131 : i32
    %mul3A_133 = arith.constant 16 : i32
    %mul3A_134 = arith.muli %add3A_132, %mul3A_133 : i32
    %dma_start3A_135 = tpu.memref_slice %arg5[%mul3A_134] : memref<128xi32, #tpu.memory_space<vmem>> -> memref<16xi32, #tpu.memory_space<vmem>>
    %dma_start3A_136 = arith.constant 0 : i32
    %dma_start3A_137 = arith.constant 0 : i32
    %dma_start3A_138 = tpu.memref_slice %arg2[%dma_start3A_136, %dma_start3A_137] : memref<256x1024xf32, #tpu.memory_space<hbm>> -> memref<256x1024xf32, #tpu.memory_space<hbm>>
    tpu.enqueue_indirect_dma source(%dma_start3A_138 : memref<256x1024xf32, #tpu.memory_space<hbm>>) target(%arg8 : memref<16x1024xf32, #tpu.memory_space<vmem>>) offsets(%dma_start3A_135 : memref<16xi32, #tpu.memory_space<vmem>>) semaphore(%arg10 : memref<!tpu.dma_semaphore, #tpu.memory_space<semaphore_mem>>)
    %mul3A_139 = arith.constant 4 : i32
    %mul3A_140 = arith.muli %mul3A_139, %scan3A_45 : i32
    %add3A_141 = arith.constant 2 : i32
    %add3A_142 = arith.addi %add3A_141, %mul3A_140 : i32
    %add3A_143 = arith.constant 3 : i32
    %add3A_144 = arith.addi %add3A_142, %add3A_143 : i32
    %dma_wait3A_145 = arith.constant 0 : i32
    %dma_wait3A_146 = arith.constant 0 : i32
    %dma_wait3A_147 = tpu.memref_slice %arg2[%dma_wait3A_145, %dma_wait3A_146] : memref<256x1024xf32, #tpu.memory_space<hbm>> -> memref<16x1024xf32, #tpu.memory_space<hbm>>
    %dma_wait3A_148 = arith.constant 0 : i32
    %dma_wait3A_149 = arith.constant 0 : i32
    %dma_wait3A_150 = tpu.memref_slice %arg2[%dma_wait3A_148, %dma_wait3A_149] : memref<256x1024xf32, #tpu.memory_space<hbm>> -> memref<16x1024xf32, #tpu.memory_space<hbm>>
    tpu.wait_dma2 semaphore(%arg10 : memref<!tpu.dma_semaphore, #tpu.memory_space<semaphore_mem>>) src(%dma_wait3A_150 : memref<16x1024xf32, #tpu.memory_space<hbm>>) dst(%arg6 : memref<16x1024xf32, #tpu.memory_space<vmem>>)
    %mul3A_151 = arith.constant 16 : i32
    %mul3A_152 = arith.muli %add3A_144, %mul3A_151 : i32
    %add3A_153 = arith.addi %mul3A_2, %mul3A_152 : i32
    %dma_start3A_154 = arith.constant 0 : i32
    %dma_start3A_155 = tpu.memref_slice %arg4[%add3A_153, %dma_start3A_154] : memref<32768x1024xf32, #tpu.memory_space<hbm>> -> memref<16x1024xf32, #tpu.memory_space<hbm>>
    %dma_start3A_156 = arith.constant 0 : i32
    %dma_start3A_157 = tpu.memref_slice %arg4[%add3A_153, %dma_start3A_156] : memref<32768x1024xf32, #tpu.memory_space<hbm>> -> memref<16x1024xf32, #tpu.memory_space<hbm>>
    tpu.enqueue_dma source(%arg7 : memref<16x1024xf32, #tpu.memory_space<vmem>>) target(%dma_start3A_157 : memref<16x1024xf32, #tpu.memory_space<hbm>>) target_semaphore(%arg11 : memref<!tpu.dma_semaphore, #tpu.memory_space<semaphore_mem>>)
    %dma_wait3A_158 = arith.constant 0 : i32
    %dma_wait3A_159 = tpu.memref_slice %arg4[%mul3A_2, %dma_wait3A_158] : memref<32768x1024xf32, #tpu.memory_space<hbm>> -> memref<16x1024xf32, #tpu.memory_space<hbm>>
    %dma_wait3A_160 = arith.constant 0 : i32
    %dma_wait3A_161 = tpu.memref_slice %arg4[%mul3A_2, %dma_wait3A_160] : memref<32768x1024xf32, #tpu.memory_space<hbm>> -> memref<16x1024xf32, #tpu.memory_space<hbm>>
    tpu.wait_dma2 semaphore(%arg11 : memref<!tpu.dma_semaphore, #tpu.memory_space<semaphore_mem>>) src(%arg6 : memref<16x1024xf32, #tpu.memory_space<vmem>>) dst(%dma_wait3A_161 : memref<16x1024xf32, #tpu.memory_space<hbm>>)
    %add3A_162 = arith.constant 2 : i32
    %add3A_163 = arith.addi %add3A_144, %add3A_162 : i32
    %mul3A_164 = arith.constant 16 : i32
    %mul3A_165 = arith.muli %add3A_163, %mul3A_164 : i32
    %dma_start3A_166 = tpu.memref_slice %arg5[%mul3A_165] : memref<128xi32, #tpu.memory_space<vmem>> -> memref<16xi32, #tpu.memory_space<vmem>>
    %dma_start3A_167 = arith.constant 0 : i32
    %dma_start3A_168 = arith.constant 0 : i32
    %dma_start3A_169 = tpu.memref_slice %arg2[%dma_start3A_167, %dma_start3A_168] : memref<256x1024xf32, #tpu.memory_space<hbm>> -> memref<256x1024xf32, #tpu.memory_space<hbm>>
    tpu.enqueue_indirect_dma source(%dma_start3A_169 : memref<256x1024xf32, #tpu.memory_space<hbm>>) target(%arg9 : memref<16x1024xf32, #tpu.memory_space<vmem>>) offsets(%dma_start3A_166 : memref<16xi32, #tpu.memory_space<vmem>>) semaphore(%arg10 : memref<!tpu.dma_semaphore, #tpu.memory_space<semaphore_mem>>)
    %scan3A_170 = arith.constant 1 : i32
    %dma_wait3A_171 = arith.constant 0 : i32
    %dma_wait3A_172 = arith.constant 0 : i32
    %dma_wait3A_173 = tpu.memref_slice %arg2[%dma_wait3A_171, %dma_wait3A_172] : memref<256x1024xf32, #tpu.memory_space<hbm>> -> memref<16x1024xf32, #tpu.memory_space<hbm>>
    %dma_wait3A_174 = arith.constant 0 : i32
    %dma_wait3A_175 = arith.constant 0 : i32
    %dma_wait3A_176 = tpu.memref_slice %arg2[%dma_wait3A_174, %dma_wait3A_175] : memref<256x1024xf32, #tpu.memory_space<hbm>> -> memref<16x1024xf32, #tpu.memory_space<hbm>>
    tpu.wait_dma2 semaphore(%arg10 : memref<!tpu.dma_semaphore, #tpu.memory_space<semaphore_mem>>) src(%dma_wait3A_176 : memref<16x1024xf32, #tpu.memory_space<hbm>>) dst(%arg6 : memref<16x1024xf32, #tpu.memory_space<vmem>>)
    %add3A_177 = arith.constant 96 : i32
    %add3A_178 = arith.addi %mul3A_2, %add3A_177 : i32
    %dma_start3A_179 = arith.constant 0 : i32
    %dma_start3A_180 = tpu.memref_slice %arg4[%add3A_178, %dma_start3A_179] : memref<32768x1024xf32, #tpu.memory_space<hbm>> -> memref<16x1024xf32, #tpu.memory_space<hbm>>
    %dma_start3A_181 = arith.constant 0 : i32
    %dma_start3A_182 = tpu.memref_slice %arg4[%add3A_178, %dma_start3A_181] : memref<32768x1024xf32, #tpu.memory_space<hbm>> -> memref<16x1024xf32, #tpu.memory_space<hbm>>
    tpu.enqueue_dma source(%arg8 : memref<16x1024xf32, #tpu.memory_space<vmem>>) target(%dma_start3A_182 : memref<16x1024xf32, #tpu.memory_space<hbm>>) target_semaphore(%arg11 : memref<!tpu.dma_semaphore, #tpu.memory_space<semaphore_mem>>)
    %dma_wait3A_183 = arith.constant 0 : i32
    %dma_wait3A_184 = tpu.memref_slice %arg4[%mul3A_2, %dma_wait3A_183] : memref<32768x1024xf32, #tpu.memory_space<hbm>> -> memref<16x1024xf32, #tpu.memory_space<hbm>>
    %dma_wait3A_185 = arith.constant 0 : i32
    %dma_wait3A_186 = tpu.memref_slice %arg4[%mul3A_2, %dma_wait3A_185] : memref<32768x1024xf32, #tpu.memory_space<hbm>> -> memref<16x1024xf32, #tpu.memory_space<hbm>>
    tpu.wait_dma2 semaphore(%arg11 : memref<!tpu.dma_semaphore, #tpu.memory_space<semaphore_mem>>) src(%arg6 : memref<16x1024xf32, #tpu.memory_space<vmem>>) dst(%dma_wait3A_186 : memref<16x1024xf32, #tpu.memory_space<hbm>>)
    %dma_wait3A_187 = arith.constant 0 : i32
    %dma_wait3A_188 = arith.constant 0 : i32
    %dma_wait3A_189 = tpu.memref_slice %arg2[%dma_wait3A_187, %dma_wait3A_188] : memref<256x1024xf32, #tpu.memory_space<hbm>> -> memref<16x1024xf32, #tpu.memory_space<hbm>>
    %dma_wait3A_190 = arith.constant 0 : i32
    %dma_wait3A_191 = arith.constant 0 : i32
    %dma_wait3A_192 = tpu.memref_slice %arg2[%dma_wait3A_190, %dma_wait3A_191] : memref<256x1024xf32, #tpu.memory_space<hbm>> -> memref<16x1024xf32, #tpu.memory_space<hbm>>
    tpu.wait_dma2 semaphore(%arg10 : memref<!tpu.dma_semaphore, #tpu.memory_space<semaphore_mem>>) src(%dma_wait3A_192 : memref<16x1024xf32, #tpu.memory_space<hbm>>) dst(%arg6 : memref<16x1024xf32, #tpu.memory_space<vmem>>)
    %add3A_193 = arith.constant 112 : i32
    %add3A_194 = arith.addi %mul3A_2, %add3A_193 : i32
    %dma_start3A_195 = arith.constant 0 : i32
    %dma_start3A_196 = tpu.memref_slice %arg4[%add3A_194, %dma_start3A_195] : memref<32768x1024xf32, #tpu.memory_space<hbm>> -> memref<16x1024xf32, #tpu.memory_space<hbm>>
    %dma_start3A_197 = arith.constant 0 : i32
    %dma_start3A_198 = tpu.memref_slice %arg4[%add3A_194, %dma_start3A_197] : memref<32768x1024xf32, #tpu.memory_space<hbm>> -> memref<16x1024xf32, #tpu.memory_space<hbm>>
    tpu.enqueue_dma source(%arg9 : memref<16x1024xf32, #tpu.memory_space<vmem>>) target(%dma_start3A_198 : memref<16x1024xf32, #tpu.memory_space<hbm>>) target_semaphore(%arg11 : memref<!tpu.dma_semaphore, #tpu.memory_space<semaphore_mem>>)
    %dma_wait3A_199 = arith.constant 0 : i32
    %dma_wait3A_200 = tpu.memref_slice %arg4[%mul3A_2, %dma_wait3A_199] : memref<32768x1024xf32, #tpu.memory_space<hbm>> -> memref<16x1024xf32, #tpu.memory_space<hbm>>
    %dma_wait3A_201 = arith.constant 0 : i32
    %dma_wait3A_202 = tpu.memref_slice %arg4[%mul3A_2, %dma_wait3A_201] : memref<32768x1024xf32, #tpu.memory_space<hbm>> -> memref<16x1024xf32, #tpu.memory_space<hbm>>
    tpu.wait_dma2 semaphore(%arg11 : memref<!tpu.dma_semaphore, #tpu.memory_space<semaphore_mem>>) src(%arg6 : memref<16x1024xf32, #tpu.memory_space<vmem>>) dst(%dma_wait3A_202 : memref<16x1024xf32, #tpu.memory_space<hbm>>)
    %dma_wait3A_203 = arith.constant 0 : i32
    %dma_wait3A_204 = tpu.memref_slice %arg4[%mul3A_2, %dma_wait3A_203] : memref<32768x1024xf32, #tpu.memory_space<hbm>> -> memref<16x1024xf32, #tpu.memory_space<hbm>>
    %dma_wait3A_205 = arith.constant 0 : i32
    %dma_wait3A_206 = tpu.memref_slice %arg4[%mul3A_2, %dma_wait3A_205] : memref<32768x1024xf32, #tpu.memory_space<hbm>> -> memref<16x1024xf32, #tpu.memory_space<hbm>>
    tpu.wait_dma2 semaphore(%arg11 : memref<!tpu.dma_semaphore, #tpu.memory_space<semaphore_mem>>) src(%arg6 : memref<16x1024xf32, #tpu.memory_space<vmem>>) dst(%dma_wait3A_206 : memref<16x1024xf32, #tpu.memory_space<hbm>>)
    %dma_wait3A_207 = arith.constant 0 : i32
    %dma_wait3A_208 = tpu.memref_slice %arg4[%mul3A_2, %dma_wait3A_207] : memref<32768x1024xf32, #tpu.memory_space<hbm>> -> memref<16x1024xf32, #tpu.memory_space<hbm>>
    %dma_wait3A_209 = arith.constant 0 : i32
    %dma_wait3A_210 = tpu.memref_slice %arg4[%mul3A_2, %dma_wait3A_209] : memref<32768x1024xf32, #tpu.memory_space<hbm>> -> memref<16x1024xf32, #tpu.memory_space<hbm>>
    tpu.wait_dma2 semaphore(%arg11 : memref<!tpu.dma_semaphore, #tpu.memory_space<semaphore_mem>>) src(%arg6 : memref<16x1024xf32, #tpu.memory_space<vmem>>) dst(%dma_wait3A_210 : memref<16x1024xf32, #tpu.memory_space<hbm>>)
    return
  }
}

module attributes {stable_mosaic.version = 14 : i64} {
  func.func @_table_body(%arg0: memref<256x1024xf32, #tpu.memory_space<vmem>>, %arg1: memref<1024x8xf32, #tpu.memory_space<vmem>>, %arg2: memref<256x1024xf32, #tpu.memory_space<vmem>>, %arg3: memref<256x1024xbf16, #tpu.memory_space<vmem>>, %arg4: memref<256x1024xbf16, #tpu.memory_space<vmem>>) attributes {dimension_semantics = [], scalar_prefetch = 0 : i64, scratch_operands = 0 : i64, tpu.core_type = #tpu.core_type<tc>} {
    %iota3A = tpu.iota {dimensions = array<i32: 0>} : vector<256x8xi32>
    %iota3A_0 = tpu.iota {dimensions = array<i32: 1>} : vector<256x8xi32>
    %sub3A = arith.constant 7 : i32
    %sub3A_1 = vector.broadcast %sub3A : i32 to vector<256x8xi32>
    %sub3A_2 = arith.subi %sub3A_1, %iota3A_0 : vector<256x8xi32>
    %shift_right_arithmetic3A = arith.shrsi %iota3A, %sub3A_2 : vector<256x8xi32>
    %and3A = arith.constant 1 : i32
    %and3A_3 = vector.broadcast %and3A : i32 to vector<256x8xi32>
    %and3A_4 = arith.andi %shift_right_arithmetic3A, %and3A_3 : vector<256x8xi32>
    %convert_element_type3A = arith.sitofp %and3A_4 : vector<256x8xi32> to vector<256x8xf32>
    %get3A = arith.constant 0 : index
    %get3A_5 = arith.constant 0 : index
    %get3A_6 = vector.load %arg0[%get3A, %get3A_5] : memref<256x1024xf32, #tpu.memory_space<vmem>>, vector<256x1024xf32>
    %get3A_7 = arith.constant 0 : index
    %get3A_8 = arith.constant 0 : index
    %get3A_9 = vector.load %arg1[%get3A_7, %get3A_8] : memref<1024x8xf32, #tpu.memory_space<vmem>>, vector<1024x8xf32>
    %dot_general3A = arith.constant dense<0.000000e+00> : vector<256x1024xf32>
    %dot_general3A_10 = tpu.matmul %convert_element_type3A, %get3A_9, %dot_general3A {dimension_numbers = #tpu.dot_dimension_numbers<[1], [1], [0], [0], [0, 0, 1, 0], [], []>, transpose_lhs_hint = false} : vector<256x8xf32>, vector<1024x8xf32>, vector<256x1024xf32> -> vector<256x1024xf32>
    %add3A = arith.addf %get3A_6, %dot_general3A_10 : vector<256x1024xf32>
    %swap3A = arith.constant 0 : index
    %swap3A_11 = arith.constant 0 : index
    %swap3A_12 = vector.load %arg2[%swap3A, %swap3A_11] : memref<256x1024xf32, #tpu.memory_space<vmem>>, vector<256x1024xf32>
    tpu.vector_store %arg2[%swap3A, %swap3A_11], %add3A {strides = array<i32>} : memref<256x1024xf32, #tpu.memory_space<vmem>>, vector<256x1024xf32>,
    %convert_element_type3A_13 = arith.truncf %add3A : vector<256x1024xf32> to vector<256x1024xbf16>
    %swap3A_14 = arith.constant 0 : index
    %swap3A_15 = arith.constant 0 : index
    %swap3A_16 = vector.load %arg3[%swap3A_14, %swap3A_15] : memref<256x1024xbf16, #tpu.memory_space<vmem>>, vector<256x1024xbf16>
    tpu.vector_store %arg3[%swap3A_14, %swap3A_15], %convert_element_type3A_13 {strides = array<i32>} : memref<256x1024xbf16, #tpu.memory_space<vmem>>, vector<256x1024xbf16>,
    %convert_element_type3A_17 = arith.extf %convert_element_type3A_13 : vector<256x1024xbf16> to vector<256x1024xf32>
    %sub3A_18 = arith.subf %add3A, %convert_element_type3A_17 : vector<256x1024xf32>
    %convert_element_type3A_19 = arith.truncf %sub3A_18 : vector<256x1024xf32> to vector<256x1024xbf16>
    %swap3A_20 = arith.constant 0 : index
    %swap3A_21 = arith.constant 0 : index
    %swap3A_22 = vector.load %arg4[%swap3A_20, %swap3A_21] : memref<256x1024xbf16, #tpu.memory_space<vmem>>, vector<256x1024xbf16>
    tpu.vector_store %arg4[%swap3A_20, %swap3A_21], %convert_element_type3A_19 {strides = array<i32>} : memref<256x1024xbf16, #tpu.memory_space<vmem>>, vector<256x1024xbf16>,
    return
  }
}

module attributes {stable_mosaic.version = 14 : i64} {
  func.func @_onehot_body(%arg0: i32, %arg1: memref<1x1x2048xi32, #tpu.memory_space<vmem>>, %arg2: memref<256x1024xbf16, #tpu.memory_space<vmem>>, %arg3: memref<256x1024xbf16, #tpu.memory_space<vmem>>, %arg4: memref<32768x1024xf32, #tpu.memory_space<any>>, %arg5: memref<2048x1024xf32, #tpu.memory_space<vmem>>) attributes {dimension_semantics = [#tpu.dimension_semantics<arbitrary>], iteration_bounds = array<i64: 14>, scalar_prefetch = 0 : i64, scratch_operands = 0 : i64, tpu.core_type = #tpu.core_type<tc>, window_params = [{transform_indices = @transform_0, window_bounds = array<i64: 1, 1, 2048>}, {pipeline_mode = #tpu.pipeline_mode<synchronous>, transform_indices = @transform_1, window_bounds = array<i64: 256, 1024>}, {pipeline_mode = #tpu.pipeline_mode<synchronous>, transform_indices = @transform_2, window_bounds = array<i64: 256, 1024>}, {}, {transform_indices = @transform_4, window_bounds = array<i64: 2048, 1024>}]} {
    %get3A = arith.constant 0 : index
    %get3A_0 = arith.constant 0 : index
    %get3A_1 = arith.constant 0 : index
    %get3A_2 = vector.load %arg1[%get3A, %get3A_0, %get3A_1] : memref<1x1x2048xi32, #tpu.memory_space<vmem>>, vector<1x1x2048xi32>
    %get3A_3 = vector.shape_cast %get3A_2 : vector<1x1x2048xi32> to vector<2048xi32>
    %iota3A = tpu.iota {dimensions = array<i32: 1>} : vector<2048x256xi32>
    %broadcast_in_dim3A = vector.shape_cast %get3A_3 : vector<2048xi32> to vector<2048x1xi32>
    %eq3A = vector.broadcast %broadcast_in_dim3A : vector<2048x1xi32> to vector<2048x256xi32>
    %eq3A_4 = arith.cmpi eq, %eq3A, %iota3A : vector<2048x256xi32>
    %convert_element_type3A = arith.extui %eq3A_4 : vector<2048x256xi1> to vector<2048x256xi32>
    %convert_element_type3A_5 = arith.sitofp %convert_element_type3A : vector<2048x256xi32> to vector<2048x256xf32>
    %convert_element_type3A_6 = arith.truncf %convert_element_type3A_5 : vector<2048x256xf32> to vector<2048x256xbf16>
    %get3A_7 = arith.constant 0 : index
    %get3A_8 = arith.constant 0 : index
    %get3A_9 = vector.load %arg2[%get3A_7, %get3A_8] : memref<256x1024xbf16, #tpu.memory_space<vmem>>, vector<256x1024xbf16>
    %dot_general3A = arith.constant dense<0.000000e+00> : vector<2048x1024xf32>
    %dot_general3A_10 = tpu.matmul %convert_element_type3A_6, %get3A_9, %dot_general3A {dimension_numbers = #tpu.dot_dimension_numbers<[1], [0], [0], [1], [0, 0, 1, 1], [], []>, transpose_lhs_hint = false} : vector<2048x256xbf16>, vector<256x1024xbf16>, vector<2048x1024xf32> -> vector<2048x1024xf32>
    %get3A_11 = arith.constant 0 : index
    %get3A_12 = arith.constant 0 : index
    %get3A_13 = vector.load %arg3[%get3A_11, %get3A_12] : memref<256x1024xbf16, #tpu.memory_space<vmem>>, vector<256x1024xbf16>
    %dot_general3A_14 = arith.constant dense<0.000000e+00> : vector<2048x1024xf32>
    %dot_general3A_15 = tpu.matmul %convert_element_type3A_6, %get3A_13, %dot_general3A_14 {dimension_numbers = #tpu.dot_dimension_numbers<[1], [0], [0], [1], [0, 0, 1, 1], [], []>, transpose_lhs_hint = false} : vector<2048x256xbf16>, vector<256x1024xbf16>, vector<2048x1024xf32> -> vector<2048x1024xf32>
    %add3A = arith.addf %dot_general3A_10, %dot_general3A_15 : vector<2048x1024xf32>
    %swap3A = arith.constant 0 : index
    %swap3A_16 = arith.constant 0 : index
    %swap3A_17 = vector.load %arg5[%swap3A, %swap3A_16] : memref<2048x1024xf32, #tpu.memory_space<vmem>>, vector<2048x1024xf32>
    tpu.vector_store %arg5[%swap3A, %swap3A_16], %add3A {strides = array<i32>} : memref<2048x1024xf32, #tpu.memory_space<vmem>>, vector<2048x1024xf32>,
    return
  }
  func.func @transform_0(%arg0: i32) -> (i32, i32, i32) {
    %c0_i32 = arith.constant 0 : i32
    %c0_i32_0 = arith.constant 0 : i32
    %c0_i32_1 = arith.constant 0 : i32
    return %arg0, %c0_i32, %c0_i32_0 : i32, i32, i32
  }
  func.func @transform_1(%arg0: i32) -> (i32, i32) {
    %c0_i32 = arith.constant 0 : i32
    %c0_i32_0 = arith.constant 0 : i32
    %c0_i32_1 = arith.constant 0 : i32
    return %c0_i32, %c0_i32_0 : i32, i32
  }
  func.func @transform_2(%arg0: i32) -> (i32, i32) {
    %c0_i32 = arith.constant 0 : i32
    %c0_i32_0 = arith.constant 0 : i32
    %c0_i32_1 = arith.constant 0 : i32
    return %c0_i32, %c0_i32_0 : i32, i32
  }
  func.func @transform_4(%arg0: i32) -> (i32, i32) {
    %add3A = arith.constant 2 : i32
    %add3A_0 = arith.addi %arg0, %add3A : i32
    %c0_i32 = arith.constant 0 : i32
    %c0_i32_1 = arith.constant 0 : i32
    return %add3A_0, %c0_i32 : i32, i32
  }
}

</mosaic_0001>

<sc_bundles>
// kernel: kernel.5.cloned.1.call-start
scs
__scs_entry_jumppad:
0x0: {  	(pc) =	sbr.rel $0x88, $3  }
0x1: {  	(tag) =	ssettag $0x0;
	lr =	simm.s32 $0x1  }
0x2: {  	[smem:$0x3F9E] =	sst lr;
	_ =	strace $0xD0000000  }
0x3: {  	_ = 	snop  }
0x4: {  	_ = 	snop  }
0x5: {  	_ = 	snop  }
0x6: {  	_ = 	snop  }
0x7: {  	_ = 	snop  }
__scs_overlays_trampoline_lowered:
0x8: {  	[smem:$0x3FAD] =	sst s0  }
0x9: {  	[smem:$0x3FAE] =	sst s1  }
0xa: {  	[smem:$0x3FAF] =	sst s2  }
0xb: {  	[smem:$0x3FB0] =	sst s3  }
0xc: {  	[smem:$0x3FB1] =	sst s4  }
0xd: {  	[smem:$0x3FB2] =	sst s5  }
0xe: {  	[smem:$0x3FB3] =	sst s6  }
0xf: {  	[smem:$0x3FB4] =	sst s7  }
0x10: {  	[smem:$0x3FB5] =	sst s8  }
0x11: {  	[smem:$0x3FB6] =	sst s9;
	s0 =	simm.s32 @!p0 $0x0  }
0x12: {  	s1 =	sld [smem:$0x3F9C];
	s0 =	simm.s32 @p0 $0x1  }
0x13: {  	[smem:$0x3FB7] =	sst s0;
	s0 =	simm.s32 @!p1 $0x0  }
0x14: {  	s2 =	sld [smem:$0x3F9B];
	s0 =	simm.s32 @p1 $0x1  }
0x15: {  	[smem:$0x3FB8] =	sst s0;
	s0 =	simm.s32 @!p2 $0x0  }
0x16: {  	s3 =	sld [smem:$0x3FDB];
	s0 =	simm.s32 @p2 $0x1  }
0x17: {  	s4 =	simm.s32 $0x1BF5;
	[smem:$0x3FBA] =	sst s0  }
0x18: {  	s0 =	sld [smem:$0x3F9D];
	_ =	swait.ge [sflag:s4], $0x0  }
0x19: {  	s7 =	sld [smem:$0x3F9E]  }
0x1a: {  	s8 =	sadd.s32 $0xFFFFE003, lr  }
0x1b: {  	s9 =	sadd.s32 $0xFFFFFEF7, lr;
	s5 =	simm.s32 $0xFFFFFFFF;
	p2 =	slt.u32 s8, $0xFFFFF086  }
0x1c: {  	p1 =	slt.u32 s9, $0xF7A;
	s5 =	simm.s32 @!p2 $0x0  }
0x1d: {  	s5 =	simm.s32 @p1 $0x1;
	p0 =	seq.s32 s7, s2  }
0x1e: {  	s7 =	smul.u32 @!p0 $0xF7A, s2;
	p2 =	seq.s32 @!p0 s5, $0x0  }
0x1f: {  	s9 =	smul.u32 $0xF7A, s1;
	s8 =	simm.s32 @!p0 $0x1BF5;
	p2 =	por !p2, p0  }
0x20: {  	[sflag:s8] =	ssyncset.s32 @!p0 $0xFFFFF086;
	s6 =	sadd.s32 @!p0 s3, s7;
	s7 =	simm.s32 @!p0 $0x108  }
0x21: {  	s3 =	sadd.s32 s3, s9;
	s6 =	sadd.s32 @!p0 $0x88, s6;
	s7 =	simm.s32 @p2 $0x1082  }
0x22: {  	[simem:s7], [sflag:s8] =	dma.local @!p0 [hbm:s6], $0xF7A  }
0x23: {  	s9 =	sor.u32 $0xD0000000, s2;
	s6 =	simm.s32 $0x108;
	_ =	swait.ge @!p0 [sflag:s8], $0x0  }
0x24: {  	s3 =	sadd.s32 $0x88, s3;
	s6 =	simm.s32 @!p1 $0x1082;
	[sflag:s4] =	ssyncset.s32 $0xFFFFF086  }
0x25: {  	[simem:s6], [sflag:s4] =	dma.local [hbm:s3], $0xF7A  }
0x26: {  	[smem:$0x3F9E] =	sst s1;
	(tag) =	ssettag s2;
	_ =	strace s9  }
0x27: {  	s1 =	sld [smem:$0x3FAE]  }
0x28: {  	s2 =	sld [smem:$0x3FAF]  }
0x29: {  	s4 =	sld [smem:$0x3FB1]  }
0x2a: {  	p0 =	seq.s32 s5, $0x0;
	s5 =	sld [smem:$0x3FB2]  }
0x2b: {  	s6 =	sld [smem:$0x3FB3]  }
0x2c: {  	s7 =	sld [smem:$0x3FB4]  }
0x2d: {  	s3 =	simm.s32 $0x108;
	s8 =	sld [smem:$0x3FB5]  }
0x2e: {  	s3 =	simm.s32 @!p0 $0x1082;
	s9 =	sld [smem:$0x3FB6]  }
0x2f: {  	lr =	sadd.s32 s0, s3;
	s0 =	sld [smem:$0x3FAD]  }
0x30: {  	s3 =	sld [smem:$0x3FB0]  }
0x31: {  	[smem:$0x3FB9] =	sst s10  }
0x32: {  	s10 =	sld [smem:$0x3FB7];
	_ =	sdelay $0x3  }
0x33: {  	p0 =	seq.s32 s10, $0x1;
	s10 =	sld [smem:$0x3FB9];
	_ =	sdelay $0x3  }
0x34: {  	[smem:$0x3FB9] =	sst s10  }
0x35: {  	s10 =	sld [smem:$0x3FB8];
	_ =	sdelay $0x3  }
0x36: {  	p1 =	seq.s32 s10, $0x1;
	s10 =	sld [smem:$0x3FB9];
	_ =	sdelay $0x3  }
0x37: {  	[smem:$0x3FB9] =	sst s10  }
0x38: {  	s10 =	sld [smem:$0x3FBA]  }
0x39: {  	_ = 	snop;
	(pc) =	sbr.ind lr, $3  }
0x3a: {  	_ = 	snop  }
0x3b: {  	_ = 	snop  }
0x3c: {  	p2 =	seq.s32 s10, $0x1;
	s10 =	sld [smem:$0x3FB9]  }
0x3d: {  	_ =	shalt  }
0x3e: {  	_ =	shalt  }
0x3f: {  	_ =	shalt  }
0x40: {  	_ =	shalt  }
0x41: {  	_ =	shalt  }
0x42: {  	_ =	shalt  }
0x43: {  	_ =	shalt  }
0x44: {  	_ =	shalt  }
0x45: {  	_ =	shalt  }
0x46: {  	_ =	shalt  }
0x47: {  	_ =	shalt  }
0x48: {  	_ =	shalt  }
0x49: {  	_ =	shalt  }
0x4a: {  	_ =	shalt  }
0x4b: {  	_ =	shalt  }
0x4c: {  	_ =	shalt  }
0x4d: {  	_ =	shalt  }
0x4e: {  	_ =	shalt  }
0x4f: {  	_ =	shalt  }
0x50: {  	_ =	shalt  }
0x51: {  	_ =	shalt  }
0x52: {  	_ =	shalt  }
0x53: {  	_ =	shalt  }
0x54: {  	_ =	shalt  }
0x55: {  	_ =	shalt  }
0x56: {  	_ =	shalt  }
0x57: {  	_ =	shalt  }
0x58: {  	_ =	shalt  }
0x59: {  	_ =	shalt  }
0x5a: {  	_ =	shalt  }
0x5b: {  	_ =	shalt  }
0x5c: {  	_ =	shalt  }
0x5d: {  	_ =	shalt  }
0x5e: {  	_ =	shalt  }
0x5f: {  	_ =	shalt  }
0x60: {  	_ =	shalt  }
0x61: {  	_ =	shalt  }
0x62: {  	_ =	shalt  }
0x63: {  	_ =	shalt  }
0x64: {  	_ =	shalt  }
0x65: {  	_ =	shalt  }
0x66: {  	_ =	shalt  }
0x67: {  	_ =	shalt  }
0x68: {  	_ =	shalt  }
0x69: {  	_ =	shalt  }
0x6a: {  	_ =	shalt  }
0x6b: {  	_ =	shalt  }
0x6c: {  	_ =	shalt  }
0x6d: {  	_ =	shalt  }
0x6e: {  	_ =	shalt  }
0x6f: {  	_ =	shalt  }
0x70: {  	_ =	shalt  }
0x71: {  	_ =	shalt  }
0x72: {  	_ =	shalt  }
0x73: {  	_ =	shalt  }
0x74: {  	_ =	shalt  }
0x75: {  	_ =	shalt  }
0x76: {  	_ =	shalt  }
0x77: {  	_ =	shalt  }
0x78: {  	_ =	shalt  }
0x79: {  	_ =	shalt  }
0x7a: {  	_ =	shalt  }
0x7b: {  	_ =	shalt  }
0x7c: {  	_ =	shalt  }
0x7d: {  	_ =	shalt  }
0x7e: {  	_ =	shalt  }
0x7f: {  	_ =	shalt  }
0x80: {  	_ =	shalt  }
0x81: {  	_ =	shalt  }
0x82: {  	_ =	shalt  }
0x83: {  	_ =	shalt  }
0x84: {  	_ =	shalt  }
0x85: {  	_ =	shalt  }
0x86: {  	_ =	shalt  }
0x87: {  	_ =	shalt  }
.Lfunc_end0:
.L_simem_size_0:
called_computation_lowered:
.L_overlay_start_0:
0x88: {  	s2 =	sld [smem:$0x3FD9]  }
0x89: {  	s3 =	sld [smem:$0x3FFE];
	_ =	sdelay $0x1  }
0x8a: {  	s1 =	srdreg.scid  }
0x8b: {  	s0 =	sand.u32 $0x1, s1  }
0x8c: {  	s17 =	sshll.u32 s0, $0xA;
	s2 =	sadd.s32 s3, s2  }
0x8d: {  	s2 =	sadd.s32 s2, s17  }
0x8e: {  	[smem:$0x3FC5] =	sst s2  }
0x8f: {  	_ = 	snop  }
0x90: {  	s2 =	sld [smem:$0x3FD0];
	(tm) =	ssettm $0x1  }
0x91: {  	s18 =	sld [smem:$0x3FFB];
	_ =	sdelay $0x3  }
0x92: {  	_ =	strace s18  }
0x93: {  	s3 =	sld [smem:$0x3FFC];
	_ =	sdelay $0x3  }
0x94: {  	_ =	strace s3  }
0x95: {  	s3 =	sld [smem:$0x3FFD];
	_ =	sdelay $0x3  }
0x96: {  	_ =	strace s3  }
0x97: {  	_ =	strace $0x8FFFFFFF  }
0x98: {  	s19 =	sld [smem:$0x3FDB];
	_ =	sdelay $0x1  }
0x99: {  	s4 =	simm.s32 $_scs_section_size  }
0x9a: {  	s5 =	simm.s32 $_size__tile_overlayer_lowered;
	s6 =	simm.s32 $_tile_overlayer_lowered  }
0x9b: {  	s22 =	simm.s32 $0x1BFF;
	s21 =	sshll.u32 s6, $0x1;
	s3 =	sadd.s32 s4, s19  }
0x9c: {  	s7 =	simm.s32 $0x0;
	s20 =	sshll.u32 s5, $0x1;
	s5 =	sadd.s32 s21, s3  }
0x9d: {  	[timem:s7], [sflag:s22] =	dma.local [hbm:s5], s20  }
0x9e: {  	_ =	swait.ge [sflag:s22], s20  }
0x9f: {  	s4 =	ssub.s32 $0x0, s20;
	[sflag:s22] =	ssyncset.done $0x0  }
0xa0: {  	[sflag:s22] =	ssyncadd.s32 s4;
	_ =	sdelay $0x1  }
0xa1: {  	s23 =	simm.s32 $0x1B8B  }
0xa2: {  	_ =	swait.ge [sflag:s23], $0x1  }
0xa3: {  	[sflag:s23] =	ssyncset.done $0x0  }
0xa4: {  	s25 =	simm.s32 $0x1B8E;
	s24 =	sld [smem:$0x3FFE];
	[sflag:s23] =	ssyncadd.s32 $0xFFFFFFFF  }
0xa5: {  	s26 =	simm.s32 $execute0_lowered;
	[smem:$0x3FD2] =	sst s25  }
0xa6: {  	s5 =	sshll.u32 s26, $0x1;
	_ =	strace $0x80000046;
	[dreg:$0x1] =	wrdreg $0xFFFFFFFF  }
0xa7: {  	s28 =	simm.s32 $_size_execute0_lowered;
	s3 =	sadd.s32 s3, s5;
	[dreg:$0x0] =	wrdreg $0x0  }
0xa8: {  	s5 =	sshll.u32 s28, $0x1;
	[dreg:$0x2] =	wrdreg s3  }
0xa9: {  	[dreg:$0x3] =	wrdreg s5  }
0xaa: {  	[dreg:$0x4] =	wrdreg $0xC0  }
0xab: {  	_ =	task [dreg:s7], $0x5FFFF  }
0xac: {  	[dreg:$0x1] =	wrdreg $0xFFFFFFFF  }
0xad: {  	[dreg:$0x0] =	wrdreg $0x60  }
0xae: {  	[dreg:$0x2] =	wrdreg s24  }
0xaf: {  	[dreg:$0x3] =	wrdreg s2  }
0xb0: {  	[dreg:$0x4] =	wrdreg $0x9  }
0xb1: {  	_ =	task.clear_ibuf [dreg:s7], $0x5FFFF;
	_ =	strace $0x90000046  }
0xb2: {  	s29 =	simm.s32 $0x9;
	_ =	strace $0x80000048  }
0xb3: {  	_ =	swait.ge [sflag:s29], $0x1  }
0xb4: {  	[sflag:s29] =	ssyncadd.s32 $0xFFFFFFFF  }
0xb5: {  	_ =	strace $0x90000048  }
0xb6: {  	_ =	sfence  }
0xb7: {  	s30 =	sld [smem:$0x0];
	_ =	sdelay $0x2  }
0xb8: {  	s31 =	sshll.u32 s1, $0xD;
	s1 =	sshrl.u32 s1, $0x2  }
0xb9: {  	s3 =	sand.u32 $0x4000, s31;
	s1 =	sadd.s32 s1, s30  }
0xba: {  	s0 =	sor.u32 s3, s0;
	s1 =	sshll.u32 s1, $0x11  }
0xbb: {  	s0 =	sor.u32 s1, s0  }
0xbc: {  	s0 =	sadd.s32 $0x8F2B, s0  }
0xbd: {  	[sflag:s0] =	ssyncadd.remote.s32 $0x1  }
0xbe: {  	_ =	sfence.sel $0xFFFF  }
0xbf: {  	[dreg:$0x0] =	wrdreg $0xFFFFFFFF;
	(pc) =	sbr.abs _section_cstart, $3  }
0xc0: {  	[dreg:$0x1] =	wrdreg $0xFFFFFFFF  }
0xc1: {  	_ =	task.clear_ibuf [dreg:s7], $0x2FFFF;
	_ =	strace $0x9FFFFFFF  }
0xc2: {  	(tm) =	ssettm $0x7FFFFFFF  }
0xc3: {  	_ =	shalt  }
tec
execute0_lowered:
.L_overlay_start_1:
0x0: {  	(tag) =	ssettag $0x1  }
0x1: {  	s0 =	srdreg.scid;
	s1 =	rddreg [dreg:$0x0]  }
0x2: {  	s2 =	stileid.u32;
	s4 =	rddreg [dreg:$0x1];
	s18 =	simm.s32 $0x80  }
0x3: {  	s29 =	simm.s32 $0x1880;
	s30 =	simm.s32 $0x2080;
	s31 =	simm.s32 $0x2880  }
0x4: {  	s28 =	simm.s32 $0x4080;
	s11 =	simm.s32 $0x4880;
	s12 =	simm.s32 $0x5080  }
0x5: {  	s14 =	simm.s32 $0x5880;
	s15 =	simm.s32 $0x6080;
	s16 =	simm.s32 $0x6880  }
0x6: {  	s9 =	simm.s32 $0x7080;
	s17 =	simm.s32 $0x7880;
	s13 =	simm.s32 $0x8080  }
0x7: {  	s19 =	simm.s32 $0x8880;
	s20 =	simm.s32 $0x9080;
	s0 =	sand.u32 $0x1, s0  }
0x8: {  	s21 =	simm.s32 $0x9880;
	s2 =	sshll.u32 s2, $0x8;
	s3 =	sshll.u32 s0, $0x7  }
0x9: {  	s10 =	simm.s32 $0xA880;
	s7 =	sadd.s32 $0x2700, s1;
	s3 =	sor.u32 s3, s2  }
0xa: {  	s2 =	simm.s32 $0x0;
	s5 =	sshrl.u32 s3, $0x3;
	s3 =	sshll.u32 s3, $0x7  }
0xb: {  	[smem:$0x7FF] =	sst s2;
	s5 =	sadd.s32 s5, s1;
	s3 =	sadd.s32 s4, s3  }
0xc: {  	_ =	strace $0x80000047;
	s5 =	sadd.s32 $0x1400, s5;
	[dreg:$0xb] =	wrdreg s3  }
0xd: {  	s0 =	ssub.s32 $0x2, s0;
	s4 =	sadd.s32 $0x800, s3;
	[dreg:$0x3] =	wrdreg s5  }
0xe: {  	s6 =	sshrl.u32 s0, $0x1;
	s22 =	sadd.s32 $0x1000, s3;
	[dreg:$0x4] =	wrdreg s4  }
0xf: {  	s0 =	ssub.s32 s0, s6;
	s23 =	sadd.s32 $0x1800, s3;
	[dreg:$0x5] =	wrdreg s22  }
0x10: {  	s6 =	sadd.s32 $0x2600, s1;
	s24 =	sadd.s32 $0x2000, s3;
	[dreg:$0x6] =	wrdreg s23  }
0x11: {  	s25 =	sadd.s32 $0x2800, s3;
	s26 =	sadd.s32 $0x3000, s3;
	[dreg:$0x7] =	wrdreg s24  }
0x12: {  	s8 =	sadd.s32 $0x3800, s3;
	s3 =	simm.s32 $0x3880;
	[dreg:$0x8] =	wrdreg s25  }
0x13: {  	v2 =	vlaneseq.u32;
	s4 =	sadd.s32 $0x2400, s1;
	s5 =	sadd.s32 $0x2500, s1;
	[dreg:$0x9] =	wrdreg s26  }
0x14: {  	vm0 =	vmmov $0xffff;
	v1 =	vshrl.u32 v2, $0x3;
	[dreg:$0xa] =	wrdreg s8;
	s8 =	smax.u32 s0, $0x1;
	s26 =	simm.s32 $0x1  }
0x15: {  	v0 =	vand.u32 $0x7, v2;
	v2 =	vor.u32 $0x8, v2;
	v1 =	vmul.u32 $0x8, v1;
	s22 =	simm.s32 $0x2;
	s24 =	simm.s32 $0x880;
	s25 =	simm.s32 $0x1080  }
.LBB2_1:
0x16: {  	s23 =	rddreg [dreg:$0x3];
	s0 =	simm.s32 $0x3  }
0x17: {  	[tilespmem:s2], [sflag:$0x3] =	stream.linear.gather [hbm4b:s23+s2], $0x80, $0x38;
	[tilespmem:$0x10080] =	vst v63  }
0x18: {  	_ =	swait.ge [sflag:s0], $0x80  }
0x19: {  	[sflag:s0] =	ssyncset.done $0x0  }
0x1a: {  	[sflag:s0] =	ssyncadd.s32 $0xFFFFFF80  }
0x1b: {  	v3 =	vld [tilespmem:$0x0];
	_ =	sdelay $0x4  }
0x1c: {  	v4 =	vshll.u32 v3, $0x3  }
0x1d: {  	v3 =	vand.u32 $0x7, v3;
	v4 =	vand.u32 $0xFFFFFFC0, v4  }
0x1e: {  	v3 =	vor.u32 v3, v4  }
0x1f: {  	v4 =	vperm.xlane v3, v0;
	_ =	sdelay $0x1  }
0x20: {  	v4 =	vadd.s32 v1, v4;
	_ =	sdelay $0x4  }
0x21: {  	[tilespmem:s18], [sflag:$0x1] =	stream.indirect_vreg.gather [hbm4b:s4+s2], $0x80, v4, vm0, $0xb8;
	[tilespmem:$0x10080] =	vst v63  }
0x22: {  	v3 =	vperm.xlane v3, v2  }
0x23: {  	[tilespmem:s24], [sflag:$0x1] =	stream.indirect_vreg.gather [hbm4b:s5+s2], $0x80, v4, vm0, $0xb8;
	[tilespmem:$0x10080] =	vst v63  }
0x24: {  	v3 =	vadd.s32 v1, v3  }
0x25: {  	[tilespmem:s25], [sflag:$0x1] =	stream.indirect_vreg.gather [hbm4b:s6+s2], $0x80, v4, vm0, $0xb8;
	[tilespmem:$0x10080] =	vst v63  }
0x26: {  	_ = 	snop  }
0x27: {  	[tilespmem:s29], [sflag:$0x1] =	stream.indirect_vreg.gather [hbm4b:s7+s2], $0x80, v4, vm0, $0xb8;
	[tilespmem:$0x10080] =	vst v63  }
0x28: {  	_ = 	snop  }
0x29: {  	[tilespmem:s30], [sflag:$0x1] =	stream.indirect_vreg.gather [hbm4b:s4+s2], $0x80, v3, vm0, $0xb8;
	[tilespmem:$0x10080] =	vst v63  }
0x2a: {  	_ = 	snop  }
0x2b: {  	[tilespmem:s31], [sflag:$0x1] =	stream.indirect_vreg.gather [hbm4b:s5+s2], $0x80, v3, vm0, $0xb8;
	[tilespmem:$0x10080] =	vst v63  }
0x2c: {  	s1 =	simm.s32 $0x3080  }
0x2d: {  	[tilespmem:s1], [sflag:$0x1] =	stream.indirect_vreg.gather [hbm4b:s6+s2], $0x80, v3, vm0, $0xb8;
	[tilespmem:$0x10080] =	vst v63  }
0x2e: {  	_ = 	snop  }
0x2f: {  	[tilespmem:s3], [sflag:$0x1] =	stream.indirect_vreg.gather [hbm4b:s7+s2], $0x80, v3, vm0, $0xb8;
	[tilespmem:$0x10080] =	vst v63  }
0x30: {  	v3 =	vld [tilespmem:$0x10];
	_ =	sdelay $0x4  }
0x31: {  	v57 =	vshll.u32 v3, $0x3  }
0x32: {  	v3 =	vand.u32 $0x7, v3;
	v4 =	vand.u32 $0xFFFFFFC0, v57  }
0x33: {  	v3 =	vor.u32 v3, v4  }
0x34: {  	v4 =	vperm.xlane v3, v0;
	_ =	sdelay $0x1  }
0x35: {  	v4 =	vadd.s32 v1, v4;
	_ =	sdelay $0x4  }
0x36: {  	[tilespmem:s28], [sflag:$0x1] =	stream.indirect_vreg.gather [hbm4b:s4+s2], $0x80, v4, vm0, $0xb8;
	[tilespmem:$0x10080] =	vst v63  }
0x37: {  	v3 =	vperm.xlane v3, v2  }
0x38: {  	[tilespmem:s11], [sflag:$0x1] =	stream.indirect_vreg.gather [hbm4b:s5+s2], $0x80, v4, vm0, $0xb8;
	[tilespmem:$0x10080] =	vst v63  }
0x39: {  	v3 =	vadd.s32 v1, v3  }
0x3a: {  	[tilespmem:s12], [sflag:$0x1] =	stream.indirect_vreg.gather [hbm4b:s6+s2], $0x80, v4, vm0, $0xb8;
	[tilespmem:$0x10080] =	vst v63  }
0x3b: {  	_ = 	snop  }
0x3c: {  	[tilespmem:s14], [sflag:$0x1] =	stream.indirect_vreg.gather [hbm4b:s7+s2], $0x80, v4, vm0, $0xb8;
	[tilespmem:$0x10080] =	vst v63  }
0x3d: {  	_ = 	snop  }
0x3e: {  	[tilespmem:s15], [sflag:$0x1] =	stream.indirect_vreg.gather [hbm4b:s4+s2], $0x80, v3, vm0, $0xb8;
	[tilespmem:$0x10080] =	vst v63  }
0x3f: {  	_ = 	snop  }
0x40: {  	[tilespmem:s16], [sflag:$0x1] =	stream.indirect_vreg.gather [hbm4b:s5+s2], $0x80, v3, vm0, $0xb8;
	[tilespmem:$0x10080] =	vst v63  }
0x41: {  	_ = 	snop  }
0x42: {  	[tilespmem:s9], [sflag:$0x1] =	stream.indirect_vreg.gather [hbm4b:s6+s2], $0x80, v3, vm0, $0xb8;
	[tilespmem:$0x10080] =	vst v63  }
0x43: {  	_ = 	snop  }
0x44: {  	[tilespmem:s17], [sflag:$0x1] =	stream.indirect_vreg.gather [hbm4b:s7+s2], $0x80, v3, vm0, $0xb8;
	[tilespmem:$0x10080] =	vst v63  }
0x45: {  	_ =	swait.ge [sflag:s26], $0x4000  }
0x46: {  	[sflag:s26] =	ssyncset.done $0x0  }
0x47: {  	s0 =	rddreg [dreg:$0xb];
	[sflag:s26] =	ssyncadd.s32 $0xFFFFC000  }
0x48: {  	[hbm4b:s0+s2] =	stream.linear.scatter [tilespmem:s18], [sflag:$0x2], $0x4000, $0x38;
	[tilespmem:$0x10080] =	vst v63  }
0x49: {  	v3 =	vld [tilespmem:$0x20];
	_ =	sdelay $0x4  }
0x4a: {  	v58 =	vshll.u32 v3, $0x3  }
0x4b: {  	v3 =	vand.u32 $0x7, v3;
	v4 =	vand.u32 $0xFFFFFFC0, v58  }
0x4c: {  	v3 =	vor.u32 v3, v4  }
0x4d: {  	v4 =	vperm.xlane v3, v0;
	_ =	sdelay $0x1  }
0x4e: {  	v4 =	vadd.s32 v1, v4;
	_ =	sdelay $0x4  }
0x4f: {  	[tilespmem:s13], [sflag:$0x1] =	stream.indirect_vreg.gather [hbm4b:s4+s2], $0x80, v4, vm0, $0xb8;
	[tilespmem:$0x10080] =	vst v63  }
0x50: {  	v3 =	vperm.xlane v3, v2  }
0x51: {  	[tilespmem:s19], [sflag:$0x1] =	stream.indirect_vreg.gather [hbm4b:s5+s2], $0x80, v4, vm0, $0xb8;
	[tilespmem:$0x10080] =	vst v63  }
0x52: {  	v3 =	vadd.s32 v1, v3  }
0x53: {  	[tilespmem:s20], [sflag:$0x1] =	stream.indirect_vreg.gather [hbm4b:s6+s2], $0x80, v4, vm0, $0xb8;
	[tilespmem:$0x10080] =	vst v63  }
0x54: {  	_ = 	snop  }
0x55: {  	[tilespmem:s21], [sflag:$0x1] =	stream.indirect_vreg.gather [hbm4b:s7+s2], $0x80, v4, vm0, $0xb8;
	[tilespmem:$0x10080] =	vst v63  }
0x56: {  	s23 =	simm.s32 $0xA080  }
0x57: {  	[tilespmem:s23], [sflag:$0x1] =	stream.indirect_vreg.gather [hbm4b:s4+s2], $0x80, v3, vm0, $0xb8;
	[tilespmem:$0x10080] =	vst v63  }
0x58: {  	_ = 	snop  }
0x59: {  	[tilespmem:s10], [sflag:$0x1] =	stream.indirect_vreg.gather [hbm4b:s5+s2], $0x80, v3, vm0, $0xb8;
	[tilespmem:$0x10080] =	vst v63  }
0x5a: {  	s23 =	simm.s32 $0xB080  }
0x5b: {  	[tilespmem:s23], [sflag:$0x1] =	stream.indirect_vreg.gather [hbm4b:s6+s2], $0x80, v3, vm0, $0xb8;
	[tilespmem:$0x10080] =	vst v63  }
0x5c: {  	s23 =	simm.s32 $0xB880  }
0x5d: {  	[tilespmem:s23], [sflag:$0x1] =	stream.indirect_vreg.gather [hbm4b:s7+s2], $0x80, v3, vm0, $0xb8;
	[tilespmem:$0x10080] =	vst v63  }
0x5e: {  	_ =	swait.ge [sflag:s26], $0x4000  }
0x5f: {  	[sflag:s26] =	ssyncset.done $0x0  }
0x60: {  	s0 =	rddreg [dreg:$0x4];
	[sflag:s26] =	ssyncadd.s32 $0xFFFFC000  }
0x61: {  	[hbm4b:s0+s2] =	stream.linear.scatter [tilespmem:s28], [sflag:$0x2], $0x4000, $0x38;
	[tilespmem:$0x10080] =	vst v63  }
0x62: {  	v3 =	vld [tilespmem:$0x30];
	_ =	sdelay $0x4  }
0x63: {  	v59 =	vshll.u32 v3, $0x3  }
0x64: {  	v3 =	vand.u32 $0x7, v3;
	v4 =	vand.u32 $0xFFFFFFC0, v59  }
0x65: {  	v3 =	vor.u32 v3, v4  }
0x66: {  	v4 =	vperm.xlane v3, v0;
	_ =	sdelay $0x1  }
0x67: {  	v4 =	vadd.s32 v1, v4;
	_ =	sdelay $0x3  }
0x68: {  	s0 =	simm.s32 $0xC080  }
0x69: {  	[tilespmem:s0], [sflag:$0x1] =	stream.indirect_vreg.gather [hbm4b:s4+s2], $0x80, v4, vm0, $0xb8;
	[tilespmem:$0x10080] =	vst v63  }
0x6a: {  	s23 =	simm.s32 $0xC880;
	v3 =	vperm.xlane v3, v2  }
0x6b: {  	[tilespmem:s23], [sflag:$0x1] =	stream.indirect_vreg.gather [hbm4b:s5+s2], $0x80, v4, vm0, $0xb8;
	[tilespmem:$0x10080] =	vst v63  }
0x6c: {  	v3 =	vadd.s32 v1, v3;
	s23 =	simm.s32 $0xD080  }
0x6d: {  	[tilespmem:s23], [sflag:$0x1] =	stream.indirect_vreg.gather [hbm4b:s6+s2], $0x80, v4, vm0, $0xb8;
	[tilespmem:$0x10080] =	vst v63  }
0x6e: {  	s23 =	simm.s32 $0xD880  }
0x6f: {  	[tilespmem:s23], [sflag:$0x1] =	stream.indirect_vreg.gather [hbm4b:s7+s2], $0x80, v4, vm0, $0xb8;
	[tilespmem:$0x10080] =	vst v63  }
0x70: {  	s23 =	simm.s32 $0xE080  }
0x71: {  	[tilespmem:s23], [sflag:$0x1] =	stream.indirect_vreg.gather [hbm4b:s4+s2], $0x80, v3, vm0, $0xb8;
	[tilespmem:$0x10080] =	vst v63  }
0x72: {  	s23 =	simm.s32 $0xE880  }
0x73: {  	[tilespmem:s23], [sflag:$0x1] =	stream.indirect_vreg.gather [hbm4b:s5+s2], $0x80, v3, vm0, $0xb8;
	[tilespmem:$0x10080] =	vst v63  }
0x74: {  	s23 =	simm.s32 $0xF080  }
0x75: {  	[tilespmem:s23], [sflag:$0x1] =	stream.indirect_vreg.gather [hbm4b:s6+s2], $0x80, v3, vm0, $0xb8;
	[tilespmem:$0x10080] =	vst v63  }
0x76: {  	s23 =	simm.s32 $0xF880  }
0x77: {  	[tilespmem:s23], [sflag:$0x1] =	stream.indirect_vreg.gather [hbm4b:s7+s2], $0x80, v3, vm0, $0xb8;
	[tilespmem:$0x10080] =	vst v63  }
0x78: {  	_ =	swait.ge [sflag:s26], $0x4000  }
0x79: {  	[sflag:s26] =	ssyncset.done $0x0  }
0x7a: {  	s23 =	rddreg [dreg:$0x5];
	[sflag:s26] =	ssyncadd.s32 $0xFFFFC000  }
0x7b: {  	[hbm4b:s23+s2] =	stream.linear.scatter [tilespmem:s13], [sflag:$0x2], $0x4000, $0x38;
	[tilespmem:$0x10080] =	vst v63  }
0x7c: {  	_ =	swait.ge [sflag:s22], $0x4000  }
0x7d: {  	[sflag:s22] =	ssyncset.done $0x0  }
0x7e: {  	[sflag:s22] =	ssyncadd.s32 $0xFFFFC000  }
0x7f: {  	v3 =	vld [tilespmem:$0x40];
	_ =	sdelay $0x4  }
0x80: {  	v60 =	vshll.u32 v3, $0x3  }
0x81: {  	v3 =	vand.u32 $0x7, v3;
	v4 =	vand.u32 $0xFFFFFFC0, v60  }
0x82: {  	v3 =	vor.u32 v3, v4  }
0x83: {  	v4 =	vperm.xlane v3, v0;
	_ =	sdelay $0x1  }
0x84: {  	v4 =	vadd.s32 v1, v4;
	_ =	sdelay $0x4  }
0x85: {  	[tilespmem:s18], [sflag:$0x1] =	stream.indirect_vreg.gather [hbm4b:s4+s2], $0x80, v4, vm0, $0xb8;
	[tilespmem:$0x10080] =	vst v63  }
0x86: {  	v3 =	vperm.xlane v3, v2  }
0x87: {  	[tilespmem:s24], [sflag:$0x1] =	stream.indirect_vreg.gather [hbm4b:s5+s2], $0x80, v4, vm0, $0xb8;
	[tilespmem:$0x10080] =	vst v63  }
0x88: {  	v3 =	vadd.s32 v1, v3  }
0x89: {  	[tilespmem:s25], [sflag:$0x1] =	stream.indirect_vreg.gather [hbm4b:s6+s2], $0x80, v4, vm0, $0xb8;
	[tilespmem:$0x10080] =	vst v63  }
0x8a: {  	_ = 	snop  }
0x8b: {  	[tilespmem:s29], [sflag:$0x1] =	stream.indirect_vreg.gather [hbm4b:s7+s2], $0x80, v4, vm0, $0xb8;
	[tilespmem:$0x10080] =	vst v63  }
0x8c: {  	_ = 	snop  }
0x8d: {  	[tilespmem:s30], [sflag:$0x1] =	stream.indirect_vreg.gather [hbm4b:s4+s2], $0x80, v3, vm0, $0xb8;
	[tilespmem:$0x10080] =	vst v63  }
0x8e: {  	_ = 	snop  }
0x8f: {  	[tilespmem:s31], [sflag:$0x1] =	stream.indirect_vreg.gather [hbm4b:s5+s2], $0x80, v3, vm0, $0xb8;
	[tilespmem:$0x10080] =	vst v63  }
0x90: {  	_ = 	snop  }
0x91: {  	[tilespmem:s1], [sflag:$0x1] =	stream.indirect_vreg.gather [hbm4b:s6+s2], $0x80, v3, vm0, $0xb8;
	[tilespmem:$0x10080] =	vst v63  }
0x92: {  	_ = 	snop  }
0x93: {  	[tilespmem:s3], [sflag:$0x1] =	stream.indirect_vreg.gather [hbm4b:s7+s2], $0x80, v3, vm0, $0xb8;
	[tilespmem:$0x10080] =	vst v63  }
0x94: {  	_ =	swait.ge [sflag:s26], $0x4000  }
0x95: {  	[sflag:s26] =	ssyncset.done $0x0  }
0x96: {  	s1 =	rddreg [dreg:$0x6];
	[sflag:s26] =	ssyncadd.s32 $0xFFFFC000  }
0x97: {  	[hbm4b:s1+s2] =	stream.linear.scatter [tilespmem:s0], [sflag:$0x2], $0x4000, $0x38;
	[tilespmem:$0x10080] =	vst v63  }
0x98: {  	_ =	swait.ge [sflag:s22], $0x4000  }
0x99: {  	[sflag:s22] =	ssyncset.done $0x0  }
0x9a: {  	[sflag:s22] =	ssyncadd.s32 $0xFFFFC000  }
0x9b: {  	v3 =	vld [tilespmem:$0x50];
	_ =	sdelay $0x4  }
0x9c: {  	v61 =	vshll.u32 v3, $0x3  }
0x9d: {  	v3 =	vand.u32 $0x7, v3;
	v4 =	vand.u32 $0xFFFFFFC0, v61  }
0x9e: {  	v3 =	vor.u32 v3, v4  }
0x9f: {  	v4 =	vperm.xlane v3, v0;
	_ =	sdelay $0x1  }
0xa0: {  	v4 =	vadd.s32 v1, v4;
	_ =	sdelay $0x4  }
0xa1: {  	[tilespmem:s28], [sflag:$0x1] =	stream.indirect_vreg.gather [hbm4b:s4+s2], $0x80, v4, vm0, $0xb8;
	[tilespmem:$0x10080] =	vst v63  }
0xa2: {  	v3 =	vperm.xlane v3, v2  }
0xa3: {  	[tilespmem:s11], [sflag:$0x1] =	stream.indirect_vreg.gather [hbm4b:s5+s2], $0x80, v4, vm0, $0xb8;
	[tilespmem:$0x10080] =	vst v63  }
0xa4: {  	v3 =	vadd.s32 v1, v3  }
0xa5: {  	[tilespmem:s12], [sflag:$0x1] =	stream.indirect_vreg.gather [hbm4b:s6+s2], $0x80, v4, vm0, $0xb8;
	[tilespmem:$0x10080] =	vst v63  }
0xa6: {  	_ = 	snop  }
0xa7: {  	[tilespmem:s14], [sflag:$0x1] =	stream.indirect_vreg.gather [hbm4b:s7+s2], $0x80, v4, vm0, $0xb8;
	[tilespmem:$0x10080] =	vst v63  }
0xa8: {  	_ = 	snop  }
0xa9: {  	[tilespmem:s15], [sflag:$0x1] =	stream.indirect_vreg.gather [hbm4b:s4+s2], $0x80, v3, vm0, $0xb8;
	[tilespmem:$0x10080] =	vst v63  }
0xaa: {  	_ = 	snop  }
0xab: {  	[tilespmem:s16], [sflag:$0x1] =	stream.indirect_vreg.gather [hbm4b:s5+s2], $0x80, v3, vm0, $0xb8;
	[tilespmem:$0x10080] =	vst v63  }
0xac: {  	_ = 	snop  }
0xad: {  	[tilespmem:s9], [sflag:$0x1] =	stream.indirect_vreg.gather [hbm4b:s6+s2], $0x80, v3, vm0, $0xb8;
	[tilespmem:$0x10080] =	vst v63  }
0xae: {  	_ = 	snop  }
0xaf: {  	[tilespmem:s17], [sflag:$0x1] =	stream.indirect_vreg.gather [hbm4b:s7+s2], $0x80, v3, vm0, $0xb8;
	[tilespmem:$0x10080] =	vst v63  }
0xb0: {  	_ =	swait.ge [sflag:s26], $0x4000  }
0xb1: {  	[sflag:s26] =	ssyncset.done $0x0  }
0xb2: {  	s1 =	rddreg [dreg:$0x7];
	[sflag:s26] =	ssyncadd.s32 $0xFFFFC000  }
0xb3: {  	[hbm4b:s1+s2] =	stream.linear.scatter [tilespmem:s18], [sflag:$0x2], $0x4000, $0x38;
	[tilespmem:$0x10080] =	vst v63  }
0xb4: {  	_ =	swait.ge [sflag:s22], $0x4000  }
0xb5: {  	[sflag:s22] =	ssyncset.done $0x0  }
0xb6: {  	[sflag:s22] =	ssyncadd.s32 $0xFFFFC000  }
0xb7: {  	v3 =	vld [tilespmem:$0x60];
	_ =	sdelay $0x4  }
0xb8: {  	v62 =	vshll.u32 v3, $0x3  }
0xb9: {  	v3 =	vand.u32 $0x7, v3;
	v4 =	vand.u32 $0xFFFFFFC0, v62  }
0xba: {  	v3 =	vor.u32 v3, v4  }
0xbb: {  	v4 =	vperm.xlane v3, v0;
	_ =	sdelay $0x1  }
0xbc: {  	v4 =	vadd.s32 v1, v4;
	_ =	sdelay $0x4  }
0xbd: {  	[tilespmem:s13], [sflag:$0x1] =	stream.indirect_vreg.gather [hbm4b:s4+s2], $0x80, v4, vm0, $0xb8;
	[tilespmem:$0x10080] =	vst v63  }
0xbe: {  	v3 =	vperm.xlane v3, v2  }
0xbf: {  	[tilespmem:s19], [sflag:$0x1] =	stream.indirect_vreg.gather [hbm4b:s5+s2], $0x80, v4, vm0, $0xb8;
	[tilespmem:$0x10080] =	vst v63  }
0xc0: {  	v3 =	vadd.s32 v1, v3  }
0xc1: {  	[tilespmem:s20], [sflag:$0x1] =	stream.indirect_vreg.gather [hbm4b:s6+s2], $0x80, v4, vm0, $0xb8;
	[tilespmem:$0x10080] =	vst v63  }
0xc2: {  	_ = 	snop  }
0xc3: {  	[tilespmem:s21], [sflag:$0x1] =	stream.indirect_vreg.gather [hbm4b:s7+s2], $0x80, v4, vm0, $0xb8;
	[tilespmem:$0x10080] =	vst v63  }
0xc4: {  	s23 =	simm.s32 $0xA080  }
0xc5: {  	[tilespmem:s23], [sflag:$0x1] =	stream.indirect_vreg.gather [hbm4b:s4+s2], $0x80, v3, vm0, $0xb8;
	[tilespmem:$0x10080] =	vst v63  }
0xc6: {  	_ = 	snop  }
0xc7: {  	[tilespmem:s10], [sflag:$0x1] =	stream.indirect_vreg.gather [hbm4b:s5+s2], $0x80, v3, vm0, $0xb8;
	[tilespmem:$0x10080] =	vst v63  }
0xc8: {  	s23 =	simm.s32 $0xB080  }
0xc9: {  	[tilespmem:s23], [sflag:$0x1] =	stream.indirect_vreg.gather [hbm4b:s6+s2], $0x80, v3, vm0, $0xb8;
	[tilespmem:$0x10080] =	vst v63  }
0xca: {  	s23 =	simm.s32 $0xB880  }
0xcb: {  	[tilespmem:s23], [sflag:$0x1] =	stream.indirect_vreg.gather [hbm4b:s7+s2], $0x80, v3, vm0, $0xb8;
	[tilespmem:$0x10080] =	vst v63  }
0xcc: {  	_ =	swait.ge [sflag:s26], $0x4000  }
0xcd: {  	[sflag:s26] =	ssyncset.done $0x0  }
0xce: {  	s1 =	rddreg [dreg:$0x8];
	[sflag:s26] =	ssyncadd.s32 $0xFFFFC000  }
0xcf: {  	[hbm4b:s1+s2] =	stream.linear.scatter [tilespmem:s28], [sflag:$0x2], $0x4000, $0x38;
	[tilespmem:$0x10080] =	vst v63  }
0xd0: {  	_ =	swait.ge [sflag:s22], $0x4000  }
0xd1: {  	[sflag:s22] =	ssyncset.done $0x0  }
0xd2: {  	[sflag:s22] =	ssyncadd.s32 $0xFFFFC000  }
0xd3: {  	v3 =	vld [tilespmem:$0x70];
	_ =	sdelay $0x4  }
0xd4: {  	v63 =	vshll.u32 v3, $0x3  }
0xd5: {  	v3 =	vand.u32 $0x7, v3;
	v4 =	vand.u32 $0xFFFFFFC0, v63  }
0xd6: {  	v3 =	vor.u32 v3, v4  }
0xd7: {  	v4 =	vperm.xlane v3, v0;
	_ =	sdelay $0x1  }
0xd8: {  	v4 =	vadd.s32 v1, v4;
	_ =	sdelay $0x4  }
0xd9: {  	[tilespmem:s0], [sflag:$0x1] =	stream.indirect_vreg.gather [hbm4b:s4+s2], $0x80, v4, vm0, $0xb8;
	[tilespmem:$0x10080] =	vst v63  }
0xda: {  	s23 =	simm.s32 $0xC880;
	v3 =	vperm.xlane v3, v2  }
0xdb: {  	[tilespmem:s23], [sflag:$0x1] =	stream.indirect_vreg.gather [hbm4b:s5+s2], $0x80, v4, vm0, $0xb8;
	[tilespmem:$0x10080] =	vst v63  }
0xdc: {  	v3 =	vadd.s32 v1, v3;
	s23 =	simm.s32 $0xD080  }
0xdd: {  	[tilespmem:s23], [sflag:$0x1] =	stream.indirect_vreg.gather [hbm4b:s6+s2], $0x80, v4, vm0, $0xb8;
	[tilespmem:$0x10080] =	vst v63  }
0xde: {  	s23 =	simm.s32 $0xD880  }
0xdf: {  	[tilespmem:s23], [sflag:$0x1] =	stream.indirect_vreg.gather [hbm4b:s7+s2], $0x80, v4, vm0, $0xb8;
	[tilespmem:$0x10080] =	vst v63  }
0xe0: {  	s23 =	simm.s32 $0xE080  }
0xe1: {  	[tilespmem:s23], [sflag:$0x1] =	stream.indirect_vreg.gather [hbm4b:s4+s2], $0x80, v3, vm0, $0xb8;
	[tilespmem:$0x10080] =	vst v63  }
0xe2: {  	s23 =	simm.s32 $0xE880  }
0xe3: {  	[tilespmem:s23], [sflag:$0x1] =	stream.indirect_vreg.gather [hbm4b:s5+s2], $0x80, v3, vm0, $0xb8;
	[tilespmem:$0x10080] =	vst v63  }
0xe4: {  	s23 =	simm.s32 $0xF080  }
0xe5: {  	[tilespmem:s23], [sflag:$0x1] =	stream.indirect_vreg.gather [hbm4b:s6+s2], $0x80, v3, vm0, $0xb8;
	[tilespmem:$0x10080] =	vst v63  }
0xe6: {  	s23 =	simm.s32 $0xF880  }
0xe7: {  	[tilespmem:s23], [sflag:$0x1] =	stream.indirect_vreg.gather [hbm4b:s7+s2], $0x80, v3, vm0, $0xb8;
	[tilespmem:$0x10080] =	vst v63  }
0xe8: {  	_ =	swait.ge [sflag:s26], $0x4000  }
0xe9: {  	[sflag:s26] =	ssyncset.done $0x0  }
0xea: {  	s1 =	rddreg [dreg:$0x9];
	[sflag:s26] =	ssyncadd.s32 $0xFFFFC000  }
0xeb: {  	[hbm4b:s1+s2] =	stream.linear.scatter [tilespmem:s13], [sflag:$0x2], $0x4000, $0x38;
	[tilespmem:$0x10080] =	vst v63  }
0xec: {  	_ =	swait.ge [sflag:s22], $0x4000  }
0xed: {  	[sflag:s22] =	ssyncset.done $0x0  }
0xee: {  	[sflag:s22] =	ssyncadd.s32 $0xFFFFC000  }
0xef: {  	_ =	swait.ge [sflag:s26], $0x4000  }
0xf0: {  	[sflag:s26] =	ssyncset.done $0x0  }
0xf1: {  	s1 =	rddreg [dreg:$0xa];
	[sflag:s26] =	ssyncadd.s32 $0xFFFFC000  }
0xf2: {  	[hbm4b:s1+s2] =	stream.linear.scatter [tilespmem:s0], [sflag:$0x2], $0x4000, $0x38;
	[tilespmem:$0x10080] =	vst v63  }
0xf3: {  	_ =	swait.ge [sflag:s22], $0x4000  }
0xf4: {  	[sflag:s22] =	ssyncset.done $0x0  }
0xf5: {  	[sflag:s22] =	ssyncadd.s32 $0xFFFFC000  }
0xf6: {  	p0 =	sne.s32 s8, $0x1;
	_ =	swait.ge [sflag:s22], $0x4000  }
.Ltmp0:
0xf7: {  	[sflag:s22] =	ssyncset.done $0x0;
	(pc) =	sbr.rel @p0 .LBB2_1-.Ltmp0, $4  }
0xf8: {  	[sflag:s22] =	ssyncadd.s32 $0xFFFFC000  }
0xf9: {  	_ =	swait.ge [sflag:s22], $0x4000  }
0xfa: {  	[sflag:s22] =	ssyncset.done $0x0  }
0xfb: {  	s8 =	sadd.s32 $0xFFFFFFFF, s8;
	[sflag:s22] =	ssyncadd.s32 $0xFFFFC000  }
0xfc: {  	_ =	sfence.sel $0x180000  }
0xfd: {  	[bflag:$0x0] =	sbarrier.arrive $0xFFFF  }
0xfe: {  	_ =	strace $0x90000047  }
0xff: {  	s0 =	stileid.u32;
	[bflag:$0x2] =	sbarrier.arrive $0xFFFF  }
0x100: {  	p0 =	sne.s32 s0, $0x0;
	s0 =	rddreg [dreg:$0x2]  }
0x101: {  	s0 =	sadd.s32 @!p0 $0x100000, s0  }
0x102: {  	[sflag:s0] =	ssyncadd.tile.s32 @!p0 $0x1;
	_ =	shalt  }
.Lfunc_end2:
_tile_overlayer_lowered:
.L_overlay_start_2:
0x103: {  	(tag) =	ssettag $0x2  }
0x104: {  	s0 =	rddreg [dreg:$0x0];
	s2 =	stileid.u32  }
0x105: {  	s1 =	rddreg [dreg:$0x1];
	p0 =	sne.s32 s2, $0x0  }
0x106: {  	s3 =	rddreg [dreg:$0x2];
	[bflag:$0x3] =	sbarrier.arrive $0xFFFF;
	s2 =	simm.s32 @!p0 $0x1C03  }
0x107: {  	[timem:s3], [sflag:s2] =	dma.local @!p0 [hbm:s0], s1  }
0x108: {  	s0 =	simm.s32 @!p0 $0x3  }
0x109: {  	_ =	swait.ge @!p0 [sflag:s0], s1  }
0x10a: {  	s1 =	ssub.s32 @!p0 $0x0, s1;
	[sflag:s0] =	ssyncset.done @!p0 $0x0  }
0x10b: {  	[sflag:s0] =	ssyncadd.s32 @!p0 s1  }
0x10c: {  	[bflag:$0x3] =	sbarrier.arrive $0xFFFF  }
0x10d: {  	_ =	shalt  }

</sc_bundles>
